<compile_context>
chip_gen: v7x
topology: tpu7x:2x2x1
jax: 0.10.2.dev20260603
libtpu: 0.0.44.dev20260713+nightly
codegen_flags: <defaults>
</compile_context>

<pallas_src>
import functools

import jax
import jax.numpy as jnp
from jax import lax
from jax.experimental import pallas as pl
from jax.experimental.pallas import tpu as pltpu
from jax.experimental.pallas import tpu_sc as plsc

HIDE_DIM = 32
LANES = 16
NUM_CORES = 2
NUM_SUBCORES = 16
NW = NUM_CORES * NUM_SUBCORES
CHUNK = 128


@functools.lru_cache(maxsize=None)
def _build(batch: int):
    b_per_w = batch // NW
    n_chunks = b_per_w // CHUNK
    mesh = plsc.VectorSubcoreMesh(core_axis_name="c", subcore_axis_name="s")

    @functools.partial(
        pl.kernel,
        mesh=mesh,
        compiler_params=pltpu.CompilerParams(use_tc_tiling_on_sc=False),
        out_type=jax.ShapeDtypeStruct((batch,), jnp.float32),
        scratch_types=[
            pltpu.VMEM((n_chunks, CHUNK), jnp.int32),
            pltpu.VMEM((n_chunks, CHUNK), jnp.int32),
            pltpu.VMEM((b_per_w, HIDE_DIM), jnp.float32),
            pltpu.VMEM((b_per_w, HIDE_DIM), jnp.float32),
            pltpu.VMEM((b_per_w,), jnp.float32),
            pltpu.SemaphoreType.DMA,
            pltpu.SemaphoreType.DMA,
        ],
    )
    def k(uidx_hbm, iidx_hbm, utab_hbm, itab_hbm, out_hbm,
          uidx_v, iidx_v, urows_v, irows_v, out_v, sem_u, sem_i):
        wid = lax.axis_index("s") * NUM_CORES + lax.axis_index("c")
        base = wid * b_per_w
        pltpu.sync_copy(uidx_hbm.at[pl.ds(wid * n_chunks, n_chunks)], uidx_v)
        pltpu.sync_copy(iidx_hbm.at[pl.ds(wid * n_chunks, n_chunks)], iidx_v)

        copies = []
        for j in range(n_chunks):
            copies.append(pltpu.async_copy(
                utab_hbm.at[uidx_v.at[j]],
                urows_v.at[pl.ds(j * CHUNK, CHUNK)], sem_u))
            copies.append(pltpu.async_copy(
                itab_hbm.at[iidx_v.at[j]],
                irows_v.at[pl.ds(j * CHUNK, CHUNK)], sem_i))
        for c in copies:
            c.wait()

        lane = lax.iota(jnp.int32, LANES)
        perms = [lane ^ k for k in (8, 4, 2, 1)]

        def rowsum(r):
            u0 = urows_v[r, pl.ds(0, LANES)]
            u1 = urows_v[r, pl.ds(LANES, LANES)]
            i0 = irows_v[r, pl.ds(0, LANES)]
            i1 = irows_v[r, pl.ds(LANES, LANES)]
            v = u0 * i0 + u1 * i1
            for p in perms:
                v = v + v.at[p].get(mode="promise_in_bounds")
            return v

        def body(g, _):
            acc = jnp.zeros((LANES,), jnp.float32)
            r0 = g * LANES
            for r in range(LANES):
                acc = jnp.where(lane == r, rowsum(r0 + r), acc)
            out_v[pl.ds(r0, LANES)] = acc
            return 0

        lax.fori_loop(0, b_per_w // LANES, body, 0)
        pltpu.sync_copy(out_v, out_hbm.at[pl.ds(base, b_per_w)])

    return k


def kernel(user_idx, item_idx, userEmbed, itemEmbed):
    batch = user_idx.shape[0]
    b_per_w = batch // NW
    n_chunks = b_per_w // CHUNK
    uidx2 = user_idx.reshape(NW * n_chunks, CHUNK)
    iidx2 = item_idx.reshape(NW * n_chunks, CHUNK)
    return _build(batch)(uidx2, iidx2, userEmbed, itemEmbed)

# --- scband reference (transcript-rebuilt; emitter-appended) ---
"""Pipeline reference for scband-test-82489141887462 (READ-ONLY COPY).

The authoritative reference and input builder live on the scoring server;
editing this copy changes nothing except your own understanding.
"""

import jax, jax.numpy as jnp
import numpy as np

USER_NUM = 1000000
ITEM_NUM = 1000000
HIDE_DIM = 32
BATCH = 16384

def setup_inputs(seed: int = 0) -> dict:
    key = jax.random.key(seed)
    k1, k2, k3, k4 = jax.random.split(key, 4)
    user_idx = jax.random.randint(k1, (BATCH,), 0, USER_NUM, dtype=jnp.int64 if jax.config.jax_enable_x64 else jnp.int32).astype(jnp.int32)
    item_idx = jax.random.randint(k2, (BATCH,), 0, ITEM_NUM, dtype=jnp.int64 if jax.config.jax_enable_x64 else jnp.int32).astype(jnp.int32)
    # xavier_normal std = sqrt(2 / (fan_in + fan_out))
    user_std = float(np.sqrt(2.0 / (USER_NUM + HIDE_DIM)))
    item_std = float(np.sqrt(2.0 / (ITEM_NUM + HIDE_DIM)))
    userEmbed = jax.random.normal(k3, (USER_NUM, HIDE_DIM), dtype=jnp.float32) * user_std
    itemEmbed = jax.random.normal(k4, (ITEM_NUM, HIDE_DIM), dtype=jnp.float32) * item_std
    return {"user_idx": user_idx, "item_idx": item_idx, "userEmbed": userEmbed, "itemEmbed": itemEmbed}

def reference(user_idx, item_idx, userEmbed, itemEmbed):
    u_e = jnp.take(userEmbed, user_idx, axis=0)
    i_e = jnp.take(itemEmbed, item_idx, axis=0)
    prediction = jnp.sum(u_e * i_e, axis=1)
    return prediction

if __name__ == "__main__":
    import jax
    _d = setup_inputs()
    print(jax.jit(kernel)(*tuple(_d.values())))

</pallas_src>

<mosaic_0001>
#map = affine_map<(d0, d1) -> (0, 0)>
#map1 = affine_map<(d0, d1) -> (0)>
module attributes {stable_mosaic.version = 14 : i64} {
  func.func @k(%arg0: i32, %arg1: i32, %arg2: memref<128x128xi32, #tpu.memory_space<hbm>>, %arg3: memref<128x128xi32, #tpu.memory_space<hbm>>, %arg4: memref<1000000x32xf32, #tpu.memory_space<hbm>>, %arg5: memref<1000000x32xf32, #tpu.memory_space<hbm>>, %arg6: memref<16384xf32, #tpu.memory_space<hbm>>, %arg7: memref<4x128xi32, #tpu.memory_space<vmem>>, %arg8: memref<4x128xi32, #tpu.memory_space<vmem>>, %arg9: memref<512x32xf32, #tpu.memory_space<vmem>>, %arg10: memref<512x32xf32, #tpu.memory_space<vmem>>, %arg11: memref<512xf32, #tpu.memory_space<vmem>>, %arg12: memref<!tpu.dma_semaphore, #tpu.memory_space<semaphore_mem>>, %arg13: memref<!tpu.dma_semaphore, #tpu.memory_space<semaphore_mem>>) attributes {dimension_semantics = [#tpu.dimension_semantics<core_parallel>, #tpu.dimension_semantics<subcore_parallel>], iteration_bounds = array<i64: 2, 16>, scalar_prefetch = 0 : i64, scratch_operands = 7 : i64, tpu.core_type = #tpu.core_type<sc_vector_subcore>, window_params = [{transform_indices = #map}, {transform_indices = #map}, {transform_indices = #map}, {transform_indices = #map}, {transform_indices = #map1}]} {
    %mul3A = arith.constant 2 : i32
    %mul3A_0 = arith.muli %arg1, %mul3A : i32
    %add3A = arith.addi %mul3A_0, %arg0 : i32
    %mul3A_1 = arith.constant 512 : i32
    %mul3A_2 = arith.muli %add3A, %mul3A_1 : i32
    %mul3A_3 = arith.constant 4 : i32
    %mul3A_4 = arith.muli %add3A, %mul3A_3 : i32
    "tpu.region"() ({
      %run_scoped3A = tpu.sem_alloc : memref<!tpu.dma_semaphore, #tpu.memory_space<semaphore_mem>>
      %dma_start3A_182 = arith.constant 0 : i32
      %dma_start3A_183 = tpu.memref_slice %arg2[%mul3A_4, %dma_start3A_182] : memref<128x128xi32, #tpu.memory_space<hbm>> -> memref<4x128xi32, #tpu.memory_space<hbm>>
      %dma_start3A_184 = arith.constant 0 : i32
      %dma_start3A_185 = tpu.memref_slice %arg2[%mul3A_4, %dma_start3A_184] : memref<128x128xi32, #tpu.memory_space<hbm>> -> memref<4x128xi32, #tpu.memory_space<hbm>>
      tpu.enqueue_dma source(%dma_start3A_185 : memref<4x128xi32, #tpu.memory_space<hbm>>) target(%arg7 : memref<4x128xi32, #tpu.memory_space<vmem>>) target_semaphore(%run_scoped3A : memref<!tpu.dma_semaphore, #tpu.memory_space<semaphore_mem>>)
      %dma_wait3A_186 = arith.constant 0 : i32
      %dma_wait3A_187 = tpu.memref_slice %arg2[%mul3A_4, %dma_wait3A_186] : memref<128x128xi32, #tpu.memory_space<hbm>> -> memref<4x128xi32, #tpu.memory_space<hbm>>
      %dma_wait3A_188 = arith.constant 0 : i32
      %dma_wait3A_189 = tpu.memref_slice %arg2[%mul3A_4, %dma_wait3A_188] : memref<128x128xi32, #tpu.memory_space<hbm>> -> memref<4x128xi32, #tpu.memory_space<hbm>>
      tpu.wait_dma2 semaphore(%run_scoped3A : memref<!tpu.dma_semaphore, #tpu.memory_space<semaphore_mem>>) src(%dma_wait3A_189 : memref<4x128xi32, #tpu.memory_space<hbm>>) dst(%arg7 : memref<4x128xi32, #tpu.memory_space<vmem>>)
      tpu.yield
    }) : () -> ()
    %mul3A_5 = arith.constant 4 : i32
    %mul3A_6 = arith.muli %add3A, %mul3A_5 : i32
    "tpu.region"() ({
      %run_scoped3A = tpu.sem_alloc : memref<!tpu.dma_semaphore, #tpu.memory_space<semaphore_mem>>
      %dma_start3A_182 = arith.constant 0 : i32
      %dma_start3A_183 = tpu.memref_slice %arg3[%mul3A_6, %dma_start3A_182] : memref<128x128xi32, #tpu.memory_space<hbm>> -> memref<4x128xi32, #tpu.memory_space<hbm>>
      %dma_start3A_184 = arith.constant 0 : i32
      %dma_start3A_185 = tpu.memref_slice %arg3[%mul3A_6, %dma_start3A_184] : memref<128x128xi32, #tpu.memory_space<hbm>> -> memref<4x128xi32, #tpu.memory_space<hbm>>
      tpu.enqueue_dma source(%dma_start3A_185 : memref<4x128xi32, #tpu.memory_space<hbm>>) target(%arg8 : memref<4x128xi32, #tpu.memory_space<vmem>>) target_semaphore(%run_scoped3A : memref<!tpu.dma_semaphore, #tpu.memory_space<semaphore_mem>>)
      %dma_wait3A_186 = arith.constant 0 : i32
      %dma_wait3A_187 = tpu.memref_slice %arg3[%mul3A_6, %dma_wait3A_186] : memref<128x128xi32, #tpu.memory_space<hbm>> -> memref<4x128xi32, #tpu.memory_space<hbm>>
      %dma_wait3A_188 = arith.constant 0 : i32
      %dma_wait3A_189 = tpu.memref_slice %arg3[%mul3A_6, %dma_wait3A_188] : memref<128x128xi32, #tpu.memory_space<hbm>> -> memref<4x128xi32, #tpu.memory_space<hbm>>
      tpu.wait_dma2 semaphore(%run_scoped3A : memref<!tpu.dma_semaphore, #tpu.memory_space<semaphore_mem>>) src(%dma_wait3A_189 : memref<4x128xi32, #tpu.memory_space<hbm>>) dst(%arg8 : memref<4x128xi32, #tpu.memory_space<vmem>>)
      tpu.yield
    }) : () -> ()
    %dma_start3A = arith.constant 0 : i32
    %dma_start3A_7 = arith.constant 0 : i32
    %dma_start3A_8 = arith.constant 0 : i32
    %dma_start3A_9 = tpu.memref_slice %arg9[%dma_start3A_7, %dma_start3A_8] : memref<512x32xf32, #tpu.memory_space<vmem>> -> memref<128x32xf32, #tpu.memory_space<vmem>>
    %dma_start3A_10 = arith.constant 0 : i32
    %dma_start3A_11 = tpu.memref_slice %arg7[%dma_start3A, %dma_start3A_10] : memref<4x128xi32, #tpu.memory_space<vmem>> -> memref<1x128xi32, #tpu.memory_space<vmem>>
    %dma_start3A_12 = tpu.memref_squeeze %dma_start3A_11 : memref<1x128xi32, #tpu.memory_space<vmem>> -> memref<128xi32, #tpu.memory_space<vmem>>
    %dma_start3A_13 = arith.constant 0 : i32
    %dma_start3A_14 = arith.constant 0 : i32
    %dma_start3A_15 = tpu.memref_slice %arg4[%dma_start3A_13, %dma_start3A_14] : memref<1000000x32xf32, #tpu.memory_space<hbm>> -> memref<1000000x32xf32, #tpu.memory_space<hbm>>
    tpu.enqueue_indirect_dma source(%dma_start3A_15 : memref<1000000x32xf32, #tpu.memory_space<hbm>>) target(%dma_start3A_9 : memref<128x32xf32, #tpu.memory_space<vmem>>) offsets(%dma_start3A_12 : memref<128xi32, #tpu.memory_space<vmem>>) semaphore(%arg12 : memref<!tpu.dma_semaphore, #tpu.memory_space<semaphore_mem>>)
    %dma_start3A_16 = arith.constant 0 : i32
    %dma_start3A_17 = arith.constant 0 : i32
    %dma_start3A_18 = arith.constant 0 : i32
    %dma_start3A_19 = tpu.memref_slice %arg10[%dma_start3A_17, %dma_start3A_18] : memref<512x32xf32, #tpu.memory_space<vmem>> -> memref<128x32xf32, #tpu.memory_space<vmem>>
    %dma_start3A_20 = arith.constant 0 : i32
    %dma_start3A_21 = tpu.memref_slice %arg8[%dma_start3A_16, %dma_start3A_20] : memref<4x128xi32, #tpu.memory_space<vmem>> -> memref<1x128xi32, #tpu.memory_space<vmem>>
    %dma_start3A_22 = tpu.memref_squeeze %dma_start3A_21 : memref<1x128xi32, #tpu.memory_space<vmem>> -> memref<128xi32, #tpu.memory_space<vmem>>
    %dma_start3A_23 = arith.constant 0 : i32
    %dma_start3A_24 = arith.constant 0 : i32
    %dma_start3A_25 = tpu.memref_slice %arg5[%dma_start3A_23, %dma_start3A_24] : memref<1000000x32xf32, #tpu.memory_space<hbm>> -> memref<1000000x32xf32, #tpu.memory_space<hbm>>
    tpu.enqueue_indirect_dma source(%dma_start3A_25 : memref<1000000x32xf32, #tpu.memory_space<hbm>>) target(%dma_start3A_19 : memref<128x32xf32, #tpu.memory_space<vmem>>) offsets(%dma_start3A_22 : memref<128xi32, #tpu.memory_space<vmem>>) semaphore(%arg13 : memref<!tpu.dma_semaphore, #tpu.memory_space<semaphore_mem>>)
    %dma_start3A_26 = arith.constant 1 : i32
    %dma_start3A_27 = arith.constant 128 : i32
    %dma_start3A_28 = arith.constant 0 : i32
    %dma_start3A_29 = tpu.memref_slice %arg9[%dma_start3A_27, %dma_start3A_28] : memref<512x32xf32, #tpu.memory_space<vmem>> -> memref<128x32xf32, #tpu.memory_space<vmem>>
    %dma_start3A_30 = arith.constant 0 : i32
    %dma_start3A_31 = tpu.memref_slice %arg7[%dma_start3A_26, %dma_start3A_30] : memref<4x128xi32, #tpu.memory_space<vmem>> -> memref<1x128xi32, #tpu.memory_space<vmem>>
    %dma_start3A_32 = tpu.memref_squeeze %dma_start3A_31 : memref<1x128xi32, #tpu.memory_space<vmem>> -> memref<128xi32, #tpu.memory_space<vmem>>
    %dma_start3A_33 = arith.constant 0 : i32
    %dma_start3A_34 = arith.constant 0 : i32
    %dma_start3A_35 = tpu.memref_slice %arg4[%dma_start3A_33, %dma_start3A_34] : memref<1000000x32xf32, #tpu.memory_space<hbm>> -> memref<1000000x32xf32, #tpu.memory_space<hbm>>
    tpu.enqueue_indirect_dma source(%dma_start3A_35 : memref<1000000x32xf32, #tpu.memory_space<hbm>>) target(%dma_start3A_29 : memref<128x32xf32, #tpu.memory_space<vmem>>) offsets(%dma_start3A_32 : memref<128xi32, #tpu.memory_space<vmem>>) semaphore(%arg12 : memref<!tpu.dma_semaphore, #tpu.memory_space<semaphore_mem>>)
    %dma_start3A_36 = arith.constant 1 : i32
    %dma_start3A_37 = arith.constant 128 : i32
    %dma_start3A_38 = arith.constant 0 : i32
    %dma_start3A_39 = tpu.memref_slice %arg10[%dma_start3A_37, %dma_start3A_38] : memref<512x32xf32, #tpu.memory_space<vmem>> -> memref<128x32xf32, #tpu.memory_space<vmem>>
    %dma_start3A_40 = arith.constant 0 : i32
    %dma_start3A_41 = tpu.memref_slice %arg8[%dma_start3A_36, %dma_start3A_40] : memref<4x128xi32, #tpu.memory_space<vmem>> -> memref<1x128xi32, #tpu.memory_space<vmem>>
    %dma_start3A_42 = tpu.memref_squeeze %dma_start3A_41 : memref<1x128xi32, #tpu.memory_space<vmem>> -> memref<128xi32, #tpu.memory_space<vmem>>
    %dma_start3A_43 = arith.constant 0 : i32
    %dma_start3A_44 = arith.constant 0 : i32
    %dma_start3A_45 = tpu.memref_slice %arg5[%dma_start3A_43, %dma_start3A_44] : memref<1000000x32xf32, #tpu.memory_space<hbm>> -> memref<1000000x32xf32, #tpu.memory_space<hbm>>
    tpu.enqueue_indirect_dma source(%dma_start3A_45 : memref<1000000x32xf32, #tpu.memory_space<hbm>>) target(%dma_start3A_39 : memref<128x32xf32, #tpu.memory_space<vmem>>) offsets(%dma_start3A_42 : memref<128xi32, #tpu.memory_space<vmem>>) semaphore(%arg13 : memref<!tpu.dma_semaphore, #tpu.memory_space<semaphore_mem>>)
    %dma_start3A_46 = arith.constant 2 : i32
    %dma_start3A_47 = arith.constant 256 : i32
    %dma_start3A_48 = arith.constant 0 : i32
    %dma_start3A_49 = tpu.memref_slice %arg9[%dma_start3A_47, %dma_start3A_48] : memref<512x32xf32, #tpu.memory_space<vmem>> -> memref<128x32xf32, #tpu.memory_space<vmem>>
    %dma_start3A_50 = arith.constant 0 : i32
    %dma_start3A_51 = tpu.memref_slice %arg7[%dma_start3A_46, %dma_start3A_50] : memref<4x128xi32, #tpu.memory_space<vmem>> -> memref<1x128xi32, #tpu.memory_space<vmem>>
    %dma_start3A_52 = tpu.memref_squeeze %dma_start3A_51 : memref<1x128xi32, #tpu.memory_space<vmem>> -> memref<128xi32, #tpu.memory_space<vmem>>
    %dma_start3A_53 = arith.constant 0 : i32
    %dma_start3A_54 = arith.constant 0 : i32
    %dma_start3A_55 = tpu.memref_slice %arg4[%dma_start3A_53, %dma_start3A_54] : memref<1000000x32xf32, #tpu.memory_space<hbm>> -> memref<1000000x32xf32, #tpu.memory_space<hbm>>
    tpu.enqueue_indirect_dma source(%dma_start3A_55 : memref<1000000x32xf32, #tpu.memory_space<hbm>>) target(%dma_start3A_49 : memref<128x32xf32, #tpu.memory_space<vmem>>) offsets(%dma_start3A_52 : memref<128xi32, #tpu.memory_space<vmem>>) semaphore(%arg12 : memref<!tpu.dma_semaphore, #tpu.memory_space<semaphore_mem>>)
    %dma_start3A_56 = arith.constant 2 : i32
    %dma_start3A_57 = arith.constant 256 : i32
    %dma_start3A_58 = arith.constant 0 : i32
    %dma_start3A_59 = tpu.memref_slice %arg10[%dma_start3A_57, %dma_start3A_58] : memref<512x32xf32, #tpu.memory_space<vmem>> -> memref<128x32xf32, #tpu.memory_space<vmem>>
    %dma_start3A_60 = arith.constant 0 : i32
    %dma_start3A_61 = tpu.memref_slice %arg8[%dma_start3A_56, %dma_start3A_60] : memref<4x128xi32, #tpu.memory_space<vmem>> -> memref<1x128xi32, #tpu.memory_space<vmem>>
    %dma_start3A_62 = tpu.memref_squeeze %dma_start3A_61 : memref<1x128xi32, #tpu.memory_space<vmem>> -> memref<128xi32, #tpu.memory_space<vmem>>
    %dma_start3A_63 = arith.constant 0 : i32
    %dma_start3A_64 = arith.constant 0 : i32
    %dma_start3A_65 = tpu.memref_slice %arg5[%dma_start3A_63, %dma_start3A_64] : memref<1000000x32xf32, #tpu.memory_space<hbm>> -> memref<1000000x32xf32, #tpu.memory_space<hbm>>
    tpu.enqueue_indirect_dma source(%dma_start3A_65 : memref<1000000x32xf32, #tpu.memory_space<hbm>>) target(%dma_start3A_59 : memref<128x32xf32, #tpu.memory_space<vmem>>) offsets(%dma_start3A_62 : memref<128xi32, #tpu.memory_space<vmem>>) semaphore(%arg13 : memref<!tpu.dma_semaphore, #tpu.memory_space<semaphore_mem>>)
    %dma_start3A_66 = arith.constant 3 : i32
    %dma_start3A_67 = arith.constant 384 : i32
    %dma_start3A_68 = arith.constant 0 : i32
    %dma_start3A_69 = tpu.memref_slice %arg9[%dma_start3A_67, %dma_start3A_68] : memref<512x32xf32, #tpu.memory_space<vmem>> -> memref<128x32xf32, #tpu.memory_space<vmem>>
    %dma_start3A_70 = arith.constant 0 : i32
    %dma_start3A_71 = tpu.memref_slice %arg7[%dma_start3A_66, %dma_start3A_70] : memref<4x128xi32, #tpu.memory_space<vmem>> -> memref<1x128xi32, #tpu.memory_space<vmem>>
    %dma_start3A_72 = tpu.memref_squeeze %dma_start3A_71 : memref<1x128xi32, #tpu.memory_space<vmem>> -> memref<128xi32, #tpu.memory_space<vmem>>
    %dma_start3A_73 = arith.constant 0 : i32
    %dma_start3A_74 = arith.constant 0 : i32
    %dma_start3A_75 = tpu.memref_slice %arg4[%dma_start3A_73, %dma_start3A_74] : memref<1000000x32xf32, #tpu.memory_space<hbm>> -> memref<1000000x32xf32, #tpu.memory_space<hbm>>
    tpu.enqueue_indirect_dma source(%dma_start3A_75 : memref<1000000x32xf32, #tpu.memory_space<hbm>>) target(%dma_start3A_69 : memref<128x32xf32, #tpu.memory_space<vmem>>) offsets(%dma_start3A_72 : memref<128xi32, #tpu.memory_space<vmem>>) semaphore(%arg12 : memref<!tpu.dma_semaphore, #tpu.memory_space<semaphore_mem>>)
    %dma_start3A_76 = arith.constant 3 : i32
    %dma_start3A_77 = arith.constant 384 : i32
    %dma_start3A_78 = arith.constant 0 : i32
    %dma_start3A_79 = tpu.memref_slice %arg10[%dma_start3A_77, %dma_start3A_78] : memref<512x32xf32, #tpu.memory_space<vmem>> -> memref<128x32xf32, #tpu.memory_space<vmem>>
    %dma_start3A_80 = arith.constant 0 : i32
    %dma_start3A_81 = tpu.memref_slice %arg8[%dma_start3A_76, %dma_start3A_80] : memref<4x128xi32, #tpu.memory_space<vmem>> -> memref<1x128xi32, #tpu.memory_space<vmem>>
    %dma_start3A_82 = tpu.memref_squeeze %dma_start3A_81 : memref<1x128xi32, #tpu.memory_space<vmem>> -> memref<128xi32, #tpu.memory_space<vmem>>
    %dma_start3A_83 = arith.constant 0 : i32
    %dma_start3A_84 = arith.constant 0 : i32
    %dma_start3A_85 = tpu.memref_slice %arg5[%dma_start3A_83, %dma_start3A_84] : memref<1000000x32xf32, #tpu.memory_space<hbm>> -> memref<1000000x32xf32, #tpu.memory_space<hbm>>
    tpu.enqueue_indirect_dma source(%dma_start3A_85 : memref<1000000x32xf32, #tpu.memory_space<hbm>>) target(%dma_start3A_79 : memref<128x32xf32, #tpu.memory_space<vmem>>) offsets(%dma_start3A_82 : memref<128xi32, #tpu.memory_space<vmem>>) semaphore(%arg13 : memref<!tpu.dma_semaphore, #tpu.memory_space<semaphore_mem>>)
    %dma_wait3A = arith.constant 0 : i32
    %dma_wait3A_86 = arith.constant 0 : i32
    %dma_wait3A_87 = arith.constant 0 : i32
    %dma_wait3A_88 = tpu.memref_slice %arg9[%dma_wait3A_86, %dma_wait3A_87] : memref<512x32xf32, #tpu.memory_space<vmem>> -> memref<128x32xf32, #tpu.memory_space<vmem>>
    %dma_wait3A_89 = arith.constant 0 : i32
    %dma_wait3A_90 = tpu.memref_slice %arg7[%dma_wait3A, %dma_wait3A_89] : memref<4x128xi32, #tpu.memory_space<vmem>> -> memref<1x128xi32, #tpu.memory_space<vmem>>
    %dma_wait3A_91 = tpu.memref_squeeze %dma_wait3A_90 : memref<1x128xi32, #tpu.memory_space<vmem>> -> memref<128xi32, #tpu.memory_space<vmem>>
    %dma_wait3A_92 = arith.constant 0 : i32
    %dma_wait3A_93 = arith.constant 0 : i32
    %dma_wait3A_94 = tpu.memref_slice %arg4[%dma_wait3A_92, %dma_wait3A_93] : memref<1000000x32xf32, #tpu.memory_space<hbm>> -> memref<1000000x32xf32, #tpu.memory_space<hbm>>
    tpu.wait_indirect_dma semaphore(%arg12 : memref<!tpu.dma_semaphore, #tpu.memory_space<semaphore_mem>>) src(%dma_wait3A_94 : memref<1000000x32xf32, #tpu.memory_space<hbm>>) dst(%dma_wait3A_88 : memref<128x32xf32, #tpu.memory_space<vmem>>)
    %dma_wait3A_95 = arith.constant 0 : i32
    %dma_wait3A_96 = arith.constant 0 : i32
    %dma_wait3A_97 = arith.constant 0 : i32
    %dma_wait3A_98 = tpu.memref_slice %arg10[%dma_wait3A_96, %dma_wait3A_97] : memref<512x32xf32, #tpu.memory_space<vmem>> -> memref<128x32xf32, #tpu.memory_space<vmem>>
    %dma_wait3A_99 = arith.constant 0 : i32
    %dma_wait3A_100 = tpu.memref_slice %arg8[%dma_wait3A_95, %dma_wait3A_99] : memref<4x128xi32, #tpu.memory_space<vmem>> -> memref<1x128xi32, #tpu.memory_space<vmem>>
    %dma_wait3A_101 = tpu.memref_squeeze %dma_wait3A_100 : memref<1x128xi32, #tpu.memory_space<vmem>> -> memref<128xi32, #tpu.memory_space<vmem>>
    %dma_wait3A_102 = arith.constant 0 : i32
    %dma_wait3A_103 = arith.constant 0 : i32
    %dma_wait3A_104 = tpu.memref_slice %arg5[%dma_wait3A_102, %dma_wait3A_103] : memref<1000000x32xf32, #tpu.memory_space<hbm>> -> memref<1000000x32xf32, #tpu.memory_space<hbm>>
    tpu.wait_indirect_dma semaphore(%arg13 : memref<!tpu.dma_semaphore, #tpu.memory_space<semaphore_mem>>) src(%dma_wait3A_104 : memref<1000000x32xf32, #tpu.memory_space<hbm>>) dst(%dma_wait3A_98 : memref<128x32xf32, #tpu.memory_space<vmem>>)
    %dma_wait3A_105 = arith.constant 1 : i32
    %dma_wait3A_106 = arith.constant 128 : i32
    %dma_wait3A_107 = arith.constant 0 : i32
    %dma_wait3A_108 = tpu.memref_slice %arg9[%dma_wait3A_106, %dma_wait3A_107] : memref<512x32xf32, #tpu.memory_space<vmem>> -> memref<128x32xf32, #tpu.memory_space<vmem>>
    %dma_wait3A_109 = arith.constant 0 : i32
    %dma_wait3A_110 = tpu.memref_slice %arg7[%dma_wait3A_105, %dma_wait3A_109] : memref<4x128xi32, #tpu.memory_space<vmem>> -> memref<1x128xi32, #tpu.memory_space<vmem>>
    %dma_wait3A_111 = tpu.memref_squeeze %dma_wait3A_110 : memref<1x128xi32, #tpu.memory_space<vmem>> -> memref<128xi32, #tpu.memory_space<vmem>>
    %dma_wait3A_112 = arith.constant 0 : i32
    %dma_wait3A_113 = arith.constant 0 : i32
    %dma_wait3A_114 = tpu.memref_slice %arg4[%dma_wait3A_112, %dma_wait3A_113] : memref<1000000x32xf32, #tpu.memory_space<hbm>> -> memref<1000000x32xf32, #tpu.memory_space<hbm>>
    tpu.wait_indirect_dma semaphore(%arg12 : memref<!tpu.dma_semaphore, #tpu.memory_space<semaphore_mem>>) src(%dma_wait3A_114 : memref<1000000x32xf32, #tpu.memory_space<hbm>>) dst(%dma_wait3A_108 : memref<128x32xf32, #tpu.memory_space<vmem>>)
    %dma_wait3A_115 = arith.constant 1 : i32
    %dma_wait3A_116 = arith.constant 128 : i32
    %dma_wait3A_117 = arith.constant 0 : i32
    %dma_wait3A_118 = tpu.memref_slice %arg10[%dma_wait3A_116, %dma_wait3A_117] : memref<512x32xf32, #tpu.memory_space<vmem>> -> memref<128x32xf32, #tpu.memory_space<vmem>>
    %dma_wait3A_119 = arith.constant 0 : i32
    %dma_wait3A_120 = tpu.memref_slice %arg8[%dma_wait3A_115, %dma_wait3A_119] : memref<4x128xi32, #tpu.memory_space<vmem>> -> memref<1x128xi32, #tpu.memory_space<vmem>>
    %dma_wait3A_121 = tpu.memref_squeeze %dma_wait3A_120 : memref<1x128xi32, #tpu.memory_space<vmem>> -> memref<128xi32, #tpu.memory_space<vmem>>
    %dma_wait3A_122 = arith.constant 0 : i32
    %dma_wait3A_123 = arith.constant 0 : i32
    %dma_wait3A_124 = tpu.memref_slice %arg5[%dma_wait3A_122, %dma_wait3A_123] : memref<1000000x32xf32, #tpu.memory_space<hbm>> -> memref<1000000x32xf32, #tpu.memory_space<hbm>>
    tpu.wait_indirect_dma semaphore(%arg13 : memref<!tpu.dma_semaphore, #tpu.memory_space<semaphore_mem>>) src(%dma_wait3A_124 : memref<1000000x32xf32, #tpu.memory_space<hbm>>) dst(%dma_wait3A_118 : memref<128x32xf32, #tpu.memory_space<vmem>>)
    %dma_wait3A_125 = arith.constant 2 : i32
    %dma_wait3A_126 = arith.constant 256 : i32
    %dma_wait3A_127 = arith.constant 0 : i32
    %dma_wait3A_128 = tpu.memref_slice %arg9[%dma_wait3A_126, %dma_wait3A_127] : memref<512x32xf32, #tpu.memory_space<vmem>> -> memref<128x32xf32, #tpu.memory_space<vmem>>
    %dma_wait3A_129 = arith.constant 0 : i32
    %dma_wait3A_130 = tpu.memref_slice %arg7[%dma_wait3A_125, %dma_wait3A_129] : memref<4x128xi32, #tpu.memory_space<vmem>> -> memref<1x128xi32, #tpu.memory_space<vmem>>
    %dma_wait3A_131 = tpu.memref_squeeze %dma_wait3A_130 : memref<1x128xi32, #tpu.memory_space<vmem>> -> memref<128xi32, #tpu.memory_space<vmem>>
    %dma_wait3A_132 = arith.constant 0 : i32
    %dma_wait3A_133 = arith.constant 0 : i32
    %dma_wait3A_134 = tpu.memref_slice %arg4[%dma_wait3A_132, %dma_wait3A_133] : memref<1000000x32xf32, #tpu.memory_space<hbm>> -> memref<1000000x32xf32, #tpu.memory_space<hbm>>
    tpu.wait_indirect_dma semaphore(%arg12 : memref<!tpu.dma_semaphore, #tpu.memory_space<semaphore_mem>>) src(%dma_wait3A_134 : memref<1000000x32xf32, #tpu.memory_space<hbm>>) dst(%dma_wait3A_128 : memref<128x32xf32, #tpu.memory_space<vmem>>)
    %dma_wait3A_135 = arith.constant 2 : i32
    %dma_wait3A_136 = arith.constant 256 : i32
    %dma_wait3A_137 = arith.constant 0 : i32
    %dma_wait3A_138 = tpu.memref_slice %arg10[%dma_wait3A_136, %dma_wait3A_137] : memref<512x32xf32, #tpu.memory_space<vmem>> -> memref<128x32xf32, #tpu.memory_space<vmem>>
    %dma_wait3A_139 = arith.constant 0 : i32
    %dma_wait3A_140 = tpu.memref_slice %arg8[%dma_wait3A_135, %dma_wait3A_139] : memref<4x128xi32, #tpu.memory_space<vmem>> -> memref<1x128xi32, #tpu.memory_space<vmem>>
    %dma_wait3A_141 = tpu.memref_squeeze %dma_wait3A_140 : memref<1x128xi32, #tpu.memory_space<vmem>> -> memref<128xi32, #tpu.memory_space<vmem>>
    %dma_wait3A_142 = arith.constant 0 : i32
    %dma_wait3A_143 = arith.constant 0 : i32
    %dma_wait3A_144 = tpu.memref_slice %arg5[%dma_wait3A_142, %dma_wait3A_143] : memref<1000000x32xf32, #tpu.memory_space<hbm>> -> memref<1000000x32xf32, #tpu.memory_space<hbm>>
    tpu.wait_indirect_dma semaphore(%arg13 : memref<!tpu.dma_semaphore, #tpu.memory_space<semaphore_mem>>) src(%dma_wait3A_144 : memref<1000000x32xf32, #tpu.memory_space<hbm>>) dst(%dma_wait3A_138 : memref<128x32xf32, #tpu.memory_space<vmem>>)
    %dma_wait3A_145 = arith.constant 3 : i32
    %dma_wait3A_146 = arith.constant 384 : i32
    %dma_wait3A_147 = arith.constant 0 : i32
    %dma_wait3A_148 = tpu.memref_slice %arg9[%dma_wait3A_146, %dma_wait3A_147] : memref<512x32xf32, #tpu.memory_space<vmem>> -> memref<128x32xf32, #tpu.memory_space<vmem>>
    %dma_wait3A_149 = arith.constant 0 : i32
    %dma_wait3A_150 = tpu.memref_slice %arg7[%dma_wait3A_145, %dma_wait3A_149] : memref<4x128xi32, #tpu.memory_space<vmem>> -> memref<1x128xi32, #tpu.memory_space<vmem>>
    %dma_wait3A_151 = tpu.memref_squeeze %dma_wait3A_150 : memref<1x128xi32, #tpu.memory_space<vmem>> -> memref<128xi32, #tpu.memory_space<vmem>>
    %dma_wait3A_152 = arith.constant 0 : i32
    %dma_wait3A_153 = arith.constant 0 : i32
    %dma_wait3A_154 = tpu.memref_slice %arg4[%dma_wait3A_152, %dma_wait3A_153] : memref<1000000x32xf32, #tpu.memory_space<hbm>> -> memref<1000000x32xf32, #tpu.memory_space<hbm>>
    tpu.wait_indirect_dma semaphore(%arg12 : memref<!tpu.dma_semaphore, #tpu.memory_space<semaphore_mem>>) src(%dma_wait3A_154 : memref<1000000x32xf32, #tpu.memory_space<hbm>>) dst(%dma_wait3A_148 : memref<128x32xf32, #tpu.memory_space<vmem>>)
    %dma_wait3A_155 = arith.constant 3 : i32
    %dma_wait3A_156 = arith.constant 384 : i32
    %dma_wait3A_157 = arith.constant 0 : i32
    %dma_wait3A_158 = tpu.memref_slice %arg10[%dma_wait3A_156, %dma_wait3A_157] : memref<512x32xf32, #tpu.memory_space<vmem>> -> memref<128x32xf32, #tpu.memory_space<vmem>>
    %dma_wait3A_159 = arith.constant 0 : i32
    %dma_wait3A_160 = tpu.memref_slice %arg8[%dma_wait3A_155, %dma_wait3A_159] : memref<4x128xi32, #tpu.memory_space<vmem>> -> memref<1x128xi32, #tpu.memory_space<vmem>>
    %dma_wait3A_161 = tpu.memref_squeeze %dma_wait3A_160 : memref<1x128xi32, #tpu.memory_space<vmem>> -> memref<128xi32, #tpu.memory_space<vmem>>
    %dma_wait3A_162 = arith.constant 0 : i32
    %dma_wait3A_163 = arith.constant 0 : i32
    %dma_wait3A_164 = tpu.memref_slice %arg5[%dma_wait3A_162, %dma_wait3A_163] : memref<1000000x32xf32, #tpu.memory_space<hbm>> -> memref<1000000x32xf32, #tpu.memory_space<hbm>>
    tpu.wait_indirect_dma semaphore(%arg13 : memref<!tpu.dma_semaphore, #tpu.memory_space<semaphore_mem>>) src(%dma_wait3A_164 : memref<1000000x32xf32, #tpu.memory_space<hbm>>) dst(%dma_wait3A_158 : memref<128x32xf32, #tpu.memory_space<vmem>>)
    %iota3A = tpu.iota {dimensions = array<i32: 0>} : vector<16xi32>
    %xor3A = arith.constant 8 : i32
    %xor3A_165 = vector.broadcast %xor3A : i32 to vector<16xi32>
    %xor3A_166 = arith.xori %iota3A, %xor3A_165 : vector<16xi32>
    %xor3A_167 = arith.constant 4 : i32
    %xor3A_168 = vector.broadcast %xor3A_167 : i32 to vector<16xi32>
    %xor3A_169 = arith.xori %iota3A, %xor3A_168 : vector<16xi32>
    %xor3A_170 = arith.constant 2 : i32
    %xor3A_171 = vector.broadcast %xor3A_170 : i32 to vector<16xi32>
    %xor3A_172 = arith.xori %iota3A, %xor3A_171 : vector<16xi32>
    %xor3A_173 = arith.constant 1 : i32
    %xor3A_174 = vector.broadcast %xor3A_173 : i32 to vector<16xi32>
    %xor3A_175 = arith.xori %iota3A, %xor3A_174 : vector<16xi32>
    %scan3A = arith.constant 0 : i32
    %scan3A_176 = arith.constant 0 : i32
    %scan3A_177 = arith.constant 32 : i32
    %scan3A_178 = arith.addi %scan3A_176, %scan3A_177 : i32
    %scan3A_179 = arith.constant 1 : i32
    %scan3A_180 = scf.for %scan3A_182 = %scan3A_176 to %scan3A_178 step %scan3A_179 iter_args(%scan3A_183 = %scan3A) -> (i32)  : i32 {
      %broadcast_in_dim3A = arith.constant 0.000000e+00 : f32
      %broadcast_in_dim3A_184 = vector.broadcast %broadcast_in_dim3A : f32 to vector<16xf32>
      %mul3A_185 = arith.constant 16 : i32
      %mul3A_186 = arith.muli %scan3A_182, %mul3A_185 : i32
      %eq3A = arith.constant 0 : i32
      %eq3A_187 = vector.broadcast %eq3A : i32 to vector<16xi32>
      %eq3A_188 = arith.cmpi eq, %iota3A, %eq3A_187 : vector<16xi32>
      %add3A_189 = arith.constant 0 : i32
      %add3A_190 = arith.addi %mul3A_186, %add3A_189 : i32
      %get3A = arith.index_cast %add3A_190 : i32 to index
      %get3A_191 = arith.constant 0 : index
      %get3A_192 = tpu.vector_load %arg9[%get3A, %get3A_191] {strides = array<i32>} : memref<512x32xf32, #tpu.memory_space<vmem>>, vector<1x16xf32>,
      %get3A_193 = vector.shape_cast %get3A_192 : vector<1x16xf32> to vector<16xf32>
      %get3A_194 = arith.index_cast %add3A_190 : i32 to index
      %get3A_195 = arith.constant 16 : index
      %get3A_196 = tpu.vector_load %arg9[%get3A_194, %get3A_195] {strides = array<i32>} : memref<512x32xf32, #tpu.memory_space<vmem>>, vector<1x16xf32>,
      %get3A_197 = vector.shape_cast %get3A_196 : vector<1x16xf32> to vector<16xf32>
      %get3A_198 = arith.index_cast %add3A_190 : i32 to index
      %get3A_199 = arith.constant 0 : index
      %get3A_200 = tpu.vector_load %arg10[%get3A_198, %get3A_199] {strides = array<i32>} : memref<512x32xf32, #tpu.memory_space<vmem>>, vector<1x16xf32>,
      %get3A_201 = vector.shape_cast %get3A_200 : vector<1x16xf32> to vector<16xf32>
      %get3A_202 = arith.index_cast %add3A_190 : i32 to index
      %get3A_203 = arith.constant 16 : index
      %get3A_204 = tpu.vector_load %arg10[%get3A_202, %get3A_203] {strides = array<i32>} : memref<512x32xf32, #tpu.memory_space<vmem>>, vector<1x16xf32>,
      %get3A_205 = vector.shape_cast %get3A_204 : vector<1x16xf32> to vector<16xf32>
      %mul3A_206 = arith.mulf %get3A_193, %get3A_201 : vector<16xf32>
      %mul3A_207 = arith.mulf %get3A_197, %get3A_205 : vector<16xf32>
      %add3A_208 = arith.addf %mul3A_206, %mul3A_207 : vector<16xf32>
      %lt3A = arith.constant 0 : i32
      %lt3A_209 = vector.broadcast %lt3A : i32 to vector<16xi32>
      %lt3A_210 = arith.cmpi slt, %xor3A_166, %lt3A_209 : vector<16xi32>
      %add3A_211 = arith.constant 16 : i32
      %add3A_212 = vector.broadcast %add3A_211 : i32 to vector<16xi32>
      %add3A_213 = arith.addi %xor3A_166, %add3A_212 : vector<16xi32>
      %select_n3A = arith.select %lt3A_210, %add3A_213, %xor3A_166 : vector<16xi1>, vector<16xi32>
      %broadcast_in_dim3A_214 = vector.shape_cast %select_n3A : vector<16xi32> to vector<16x1xi32>
      %gather3A = vector.shape_cast %broadcast_in_dim3A_214 : vector<16x1xi32> to vector<16xi32>
      %gather3A_215 = tpu.dynamic_gather %add3A_208[%gather3A] in [0] : vector<16xf32>, vector<16xi32> -> vector<16xf32>
      %add3A_216 = arith.addf %add3A_208, %gather3A_215 : vector<16xf32>
      %lt3A_217 = arith.constant 0 : i32
      %lt3A_218 = vector.broadcast %lt3A_217 : i32 to vector<16xi32>
      %lt3A_219 = arith.cmpi slt, %xor3A_169, %lt3A_218 : vector<16xi32>
      %add3A_220 = arith.constant 16 : i32
      %add3A_221 = vector.broadcast %add3A_220 : i32 to vector<16xi32>
      %add3A_222 = arith.addi %xor3A_169, %add3A_221 : vector<16xi32>
      %select_n3A_223 = arith.select %lt3A_219, %add3A_222, %xor3A_169 : vector<16xi1>, vector<16xi32>
      %broadcast_in_dim3A_224 = vector.shape_cast %select_n3A_223 : vector<16xi32> to vector<16x1xi32>
      %gather3A_225 = vector.shape_cast %broadcast_in_dim3A_224 : vector<16x1xi32> to vector<16xi32>
      %gather3A_226 = tpu.dynamic_gather %add3A_216[%gather3A_225] in [0] : vector<16xf32>, vector<16xi32> -> vector<16xf32>
      %add3A_227 = arith.addf %add3A_216, %gather3A_226 : vector<16xf32>
      %lt3A_228 = arith.constant 0 : i32
      %lt3A_229 = vector.broadcast %lt3A_228 : i32 to vector<16xi32>
      %lt3A_230 = arith.cmpi slt, %xor3A_172, %lt3A_229 : vector<16xi32>
      %add3A_231 = arith.constant 16 : i32
      %add3A_232 = vector.broadcast %add3A_231 : i32 to vector<16xi32>
      %add3A_233 = arith.addi %xor3A_172, %add3A_232 : vector<16xi32>
      %select_n3A_234 = arith.select %lt3A_230, %add3A_233, %xor3A_172 : vector<16xi1>, vector<16xi32>
      %broadcast_in_dim3A_235 = vector.shape_cast %select_n3A_234 : vector<16xi32> to vector<16x1xi32>
      %gather3A_236 = vector.shape_cast %broadcast_in_dim3A_235 : vector<16x1xi32> to vector<16xi32>
      %gather3A_237 = tpu.dynamic_gather %add3A_227[%gather3A_236] in [0] : vector<16xf32>, vector<16xi32> -> vector<16xf32>
      %add3A_238 = arith.addf %add3A_227, %gather3A_237 : vector<16xf32>
      %lt3A_239 = arith.constant 0 : i32
      %lt3A_240 = vector.broadcast %lt3A_239 : i32 to vector<16xi32>
      %lt3A_241 = arith.cmpi slt, %xor3A_175, %lt3A_240 : vector<16xi32>
      %add3A_242 = arith.constant 16 : i32
      %add3A_243 = vector.broadcast %add3A_242 : i32 to vector<16xi32>
      %add3A_244 = arith.addi %xor3A_175, %add3A_243 : vector<16xi32>
      %select_n3A_245 = arith.select %lt3A_241, %add3A_244, %xor3A_175 : vector<16xi1>, vector<16xi32>
      %broadcast_in_dim3A_246 = vector.shape_cast %select_n3A_245 : vector<16xi32> to vector<16x1xi32>
      %gather3A_247 = vector.shape_cast %broadcast_in_dim3A_246 : vector<16x1xi32> to vector<16xi32>
      %gather3A_248 = tpu.dynamic_gather %add3A_238[%gather3A_247] in [0] : vector<16xf32>, vector<16xi32> -> vector<16xf32>
      %add3A_249 = arith.addf %add3A_238, %gather3A_248 : vector<16xf32>
      %select_n3A_250 = arith.select %eq3A_188, %add3A_249, %broadcast_in_dim3A_184 : vector<16xi1>, vector<16xf32>
      %eq3A_251 = arith.constant 1 : i32
      %eq3A_252 = vector.broadcast %eq3A_251 : i32 to vector<16xi32>
      %eq3A_253 = arith.cmpi eq, %iota3A, %eq3A_252 : vector<16xi32>
      %add3A_254 = arith.constant 1 : i32
      %add3A_255 = arith.addi %mul3A_186, %add3A_254 : i32
      %get3A_256 = arith.index_cast %add3A_255 : i32 to index
      %get3A_257 = arith.constant 0 : index
      %get3A_258 = tpu.vector_load %arg9[%get3A_256, %get3A_257] {strides = array<i32>} : memref<512x32xf32, #tpu.memory_space<vmem>>, vector<1x16xf32>,
      %get3A_259 = vector.shape_cast %get3A_258 : vector<1x16xf32> to vector<16xf32>
      %get3A_260 = arith.index_cast %add3A_255 : i32 to index
      %get3A_261 = arith.constant 16 : index
      %get3A_262 = tpu.vector_load %arg9[%get3A_260, %get3A_261] {strides = array<i32>} : memref<512x32xf32, #tpu.memory_space<vmem>>, vector<1x16xf32>,
      %get3A_263 = vector.shape_cast %get3A_262 : vector<1x16xf32> to vector<16xf32>
      %get3A_264 = arith.index_cast %add3A_255 : i32 to index
      %get3A_265 = arith.constant 0 : index
      %get3A_266 = tpu.vector_load %arg10[%get3A_264, %get3A_265] {strides = array<i32>} : memref<512x32xf32, #tpu.memory_space<vmem>>, vector<1x16xf32>,
      %get3A_267 = vector.shape_cast %get3A_266 : vector<1x16xf32> to vector<16xf32>
      %get3A_268 = arith.index_cast %add3A_255 : i32 to index
      %get3A_269 = arith.constant 16 : index
      %get3A_270 = tpu.vector_load %arg10[%get3A_268, %get3A_269] {strides = array<i32>} : memref<512x32xf32, #tpu.memory_space<vmem>>, vector<1x16xf32>,
      %get3A_271 = vector.shape_cast %get3A_270 : vector<1x16xf32> to vector<16xf32>
      %mul3A_272 = arith.mulf %get3A_259, %get3A_267 : vector<16xf32>
      %mul3A_273 = arith.mulf %get3A_263, %get3A_271 : vector<16xf32>
      %add3A_274 = arith.addf %mul3A_272, %mul3A_273 : vector<16xf32>
      %lt3A_275 = arith.constant 0 : i32
      %lt3A_276 = vector.broadcast %lt3A_275 : i32 to vector<16xi32>
      %lt3A_277 = arith.cmpi slt, %xor3A_166, %lt3A_276 : vector<16xi32>
      %add3A_278 = arith.constant 16 : i32
      %add3A_279 = vector.broadcast %add3A_278 : i32 to vector<16xi32>
      %add3A_280 = arith.addi %xor3A_166, %add3A_279 : vector<16xi32>
      %select_n3A_281 = arith.select %lt3A_277, %add3A_280, %xor3A_166 : vector<16xi1>, vector<16xi32>
      %broadcast_in_dim3A_282 = vector.shape_cast %select_n3A_281 : vector<16xi32> to vector<16x1xi32>
      %gather3A_283 = vector.shape_cast %broadcast_in_dim3A_282 : vector<16x1xi32> to vector<16xi32>
      %gather3A_284 = tpu.dynamic_gather %add3A_274[%gather3A_283] in [0] : vector<16xf32>, vector<16xi32> -> vector<16xf32>
      %add3A_285 = arith.addf %add3A_274, %gather3A_284 : vector<16xf32>
      %lt3A_286 = arith.constant 0 : i32
      %lt3A_287 = vector.broadcast %lt3A_286 : i32 to vector<16xi32>
      %lt3A_288 = arith.cmpi slt, %xor3A_169, %lt3A_287 : vector<16xi32>
      %add3A_289 = arith.constant 16 : i32
      %add3A_290 = vector.broadcast %add3A_289 : i32 to vector<16xi32>
      %add3A_291 = arith.addi %xor3A_169, %add3A_290 : vector<16xi32>
      %select_n3A_292 = arith.select %lt3A_288, %add3A_291, %xor3A_169 : vector<16xi1>, vector<16xi32>
      %broadcast_in_dim3A_293 = vector.shape_cast %select_n3A_292 : vector<16xi32> to vector<16x1xi32>
      %gather3A_294 = vector.shape_cast %broadcast_in_dim3A_293 : vector<16x1xi32> to vector<16xi32>
      %gather3A_295 = tpu.dynamic_gather %add3A_285[%gather3A_294] in [0] : vector<16xf32>, vector<16xi32> -> vector<16xf32>
      %add3A_296 = arith.addf %add3A_285, %gather3A_295 : vector<16xf32>
      %lt3A_297 = arith.constant 0 : i32
      %lt3A_298 = vector.broadcast %lt3A_297 : i32 to vector<16xi32>
      %lt3A_299 = arith.cmpi slt, %xor3A_172, %lt3A_298 : vector<16xi32>
      %add3A_300 = arith.constant 16 : i32
      %add3A_301 = vector.broadcast %add3A_300 : i32 to vector<16xi32>
      %add3A_302 = arith.addi %xor3A_172, %add3A_301 : vector<16xi32>
      %select_n3A_303 = arith.select %lt3A_299, %add3A_302, %xor3A_172 : vector<16xi1>, vector<16xi32>
      %broadcast_in_dim3A_304 = vector.shape_cast %select_n3A_303 : vector<16xi32> to vector<16x1xi32>
      %gather3A_305 = vector.shape_cast %broadcast_in_dim3A_304 : vector<16x1xi32> to vector<16xi32>
      %gather3A_306 = tpu.dynamic_gather %add3A_296[%gather3A_305] in [0] : vector<16xf32>, vector<16xi32> -> vector<16xf32>
      %add3A_307 = arith.addf %add3A_296, %gather3A_306 : vector<16xf32>
      %lt3A_308 = arith.constant 0 : i32
      %lt3A_309 = vector.broadcast %lt3A_308 : i32 to vector<16xi32>
      %lt3A_310 = arith.cmpi slt, %xor3A_175, %lt3A_309 : vector<16xi32>
      %add3A_311 = arith.constant 16 : i32
      %add3A_312 = vector.broadcast %add3A_311 : i32 to vector<16xi32>
      %add3A_313 = arith.addi %xor3A_175, %add3A_312 : vector<16xi32>
      %select_n3A_314 = arith.select %lt3A_310, %add3A_313, %xor3A_175 : vector<16xi1>, vector<16xi32>
      %broadcast_in_dim3A_315 = vector.shape_cast %select_n3A_314 : vector<16xi32> to vector<16x1xi32>
      %gather3A_316 = vector.shape_cast %broadcast_in_dim3A_315 : vector<16x1xi32> to vector<16xi32>
      %gather3A_317 = tpu.dynamic_gather %add3A_307[%gather3A_316] in [0] : vector<16xf32>, vector<16xi32> -> vector<16xf32>
      %add3A_318 = arith.addf %add3A_307, %gather3A_317 : vector<16xf32>
      %select_n3A_319 = arith.select %eq3A_253, %add3A_318, %select_n3A_250 : vector<16xi1>, vector<16xf32>
      %eq3A_320 = arith.constant 2 : i32
      %eq3A_321 = vector.broadcast %eq3A_320 : i32 to vector<16xi32>
      %eq3A_322 = arith.cmpi eq, %iota3A, %eq3A_321 : vector<16xi32>
      %add3A_323 = arith.constant 2 : i32
      %add3A_324 = arith.addi %mul3A_186, %add3A_323 : i32
      %get3A_325 = arith.index_cast %add3A_324 : i32 to index
      %get3A_326 = arith.constant 0 : index
      %get3A_327 = tpu.vector_load %arg9[%get3A_325, %get3A_326] {strides = array<i32>} : memref<512x32xf32, #tpu.memory_space<vmem>>, vector<1x16xf32>,
      %get3A_328 = vector.shape_cast %get3A_327 : vector<1x16xf32> to vector<16xf32>
      %get3A_329 = arith.index_cast %add3A_324 : i32 to index
      %get3A_330 = arith.constant 16 : index
      %get3A_331 = tpu.vector_load %arg9[%get3A_329, %get3A_330] {strides = array<i32>} : memref<512x32xf32, #tpu.memory_space<vmem>>, vector<1x16xf32>,
      %get3A_332 = vector.shape_cast %get3A_331 : vector<1x16xf32> to vector<16xf32>
      %get3A_333 = arith.index_cast %add3A_324 : i32 to index
      %get3A_334 = arith.constant 0 : index
      %get3A_335 = tpu.vector_load %arg10[%get3A_333, %get3A_334] {strides = array<i32>} : memref<512x32xf32, #tpu.memory_space<vmem>>, vector<1x16xf32>,
      %get3A_336 = vector.shape_cast %get3A_335 : vector<1x16xf32> to vector<16xf32>
      %get3A_337 = arith.index_cast %add3A_324 : i32 to index
      %get3A_338 = arith.constant 16 : index
      %get3A_339 = tpu.vector_load %arg10[%get3A_337, %get3A_338] {strides = array<i32>} : memref<512x32xf32, #tpu.memory_space<vmem>>, vector<1x16xf32>,
      %get3A_340 = vector.shape_cast %get3A_339 : vector<1x16xf32> to vector<16xf32>
      %mul3A_341 = arith.mulf %get3A_328, %get3A_336 : vector<16xf32>
      %mul3A_342 = arith.mulf %get3A_332, %get3A_340 : vector<16xf32>
      %add3A_343 = arith.addf %mul3A_341, %mul3A_342 : vector<16xf32>
      %lt3A_344 = arith.constant 0 : i32
      %lt3A_345 = vector.broadcast %lt3A_344 : i32 to vector<16xi32>
      %lt3A_346 = arith.cmpi slt, %xor3A_166, %lt3A_345 : vector<16xi32>
      %add3A_347 = arith.constant 16 : i32
      %add3A_348 = vector.broadcast %add3A_347 : i32 to vector<16xi32>
      %add3A_349 = arith.addi %xor3A_166, %add3A_348 : vector<16xi32>
      %select_n3A_350 = arith.select %lt3A_346, %add3A_349, %xor3A_166 : vector<16xi1>, vector<16xi32>
      %broadcast_in_dim3A_351 = vector.shape_cast %select_n3A_350 : vector<16xi32> to vector<16x1xi32>
      %gather3A_352 = vector.shape_cast %broadcast_in_dim3A_351 : vector<16x1xi32> to vector<16xi32>
      %gather3A_353 = tpu.dynamic_gather %add3A_343[%gather3A_352] in [0] : vector<16xf32>, vector<16xi32> -> vector<16xf32>
      %add3A_354 = arith.addf %add3A_343, %gather3A_353 : vector<16xf32>
      %lt3A_355 = arith.constant 0 : i32
      %lt3A_356 = vector.broadcast %lt3A_355 : i32 to vector<16xi32>
      %lt3A_357 = arith.cmpi slt, %xor3A_169, %lt3A_356 : vector<16xi32>
      %add3A_358 = arith.constant 16 : i32
      %add3A_359 = vector.broadcast %add3A_358 : i32 to vector<16xi32>
      %add3A_360 = arith.addi %xor3A_169, %add3A_359 : vector<16xi32>
      %select_n3A_361 = arith.select %lt3A_357, %add3A_360, %xor3A_169 : vector<16xi1>, vector<16xi32>
      %broadcast_in_dim3A_362 = vector.shape_cast %select_n3A_361 : vector<16xi32> to vector<16x1xi32>
      %gather3A_363 = vector.shape_cast %broadcast_in_dim3A_362 : vector<16x1xi32> to vector<16xi32>
      %gather3A_364 = tpu.dynamic_gather %add3A_354[%gather3A_363] in [0] : vector<16xf32>, vector<16xi32> -> vector<16xf32>
      %add3A_365 = arith.addf %add3A_354, %gather3A_364 : vector<16xf32>
      %lt3A_366 = arith.constant 0 : i32
      %lt3A_367 = vector.broadcast %lt3A_366 : i32 to vector<16xi32>
      %lt3A_368 = arith.cmpi slt, %xor3A_172, %lt3A_367 : vector<16xi32>
      %add3A_369 = arith.constant 16 : i32
      %add3A_370 = vector.broadcast %add3A_369 : i32 to vector<16xi32>
      %add3A_371 = arith.addi %xor3A_172, %add3A_370 : vector<16xi32>
      %select_n3A_372 = arith.select %lt3A_368, %add3A_371, %xor3A_172 : vector<16xi1>, vector<16xi32>
      %broadcast_in_dim3A_373 = vector.shape_cast %select_n3A_372 : vector<16xi32> to vector<16x1xi32>
      %gather3A_374 = vector.shape_cast %broadcast_in_dim3A_373 : vector<16x1xi32> to vector<16xi32>
      %gather3A_375 = tpu.dynamic_gather %add3A_365[%gather3A_374] in [0] : vector<16xf32>, vector<16xi32> -> vector<16xf32>
      %add3A_376 = arith.addf %add3A_365, %gather3A_375 : vector<16xf32>
      %lt3A_377 = arith.constant 0 : i32
      %lt3A_378 = vector.broadcast %lt3A_377 : i32 to vector<16xi32>
      %lt3A_379 = arith.cmpi slt, %xor3A_175, %lt3A_378 : vector<16xi32>
      %add3A_380 = arith.constant 16 : i32
      %add3A_381 = vector.broadcast %add3A_380 : i32 to vector<16xi32>
      %add3A_382 = arith.addi %xor3A_175, %add3A_381 : vector<16xi32>
      %select_n3A_383 = arith.select %lt3A_379, %add3A_382, %xor3A_175 : vector<16xi1>, vector<16xi32>
      %broadcast_in_dim3A_384 = vector.shape_cast %select_n3A_383 : vector<16xi32> to vector<16x1xi32>
      %gather3A_385 = vector.shape_cast %broadcast_in_dim3A_384 : vector<16x1xi32> to vector<16xi32>
      %gather3A_386 = tpu.dynamic_gather %add3A_376[%gather3A_385] in [0] : vector<16xf32>, vector<16xi32> -> vector<16xf32>
      %add3A_387 = arith.addf %add3A_376, %gather3A_386 : vector<16xf32>
      %select_n3A_388 = arith.select %eq3A_322, %add3A_387, %select_n3A_319 : vector<16xi1>, vector<16xf32>
      %eq3A_389 = arith.constant 3 : i32
      %eq3A_390 = vector.broadcast %eq3A_389 : i32 to vector<16xi32>
      %eq3A_391 = arith.cmpi eq, %iota3A, %eq3A_390 : vector<16xi32>
      %add3A_392 = arith.constant 3 : i32
      %add3A_393 = arith.addi %mul3A_186, %add3A_392 : i32
      %get3A_394 = arith.index_cast %add3A_393 : i32 to index
      %get3A_395 = arith.constant 0 : index
      %get3A_396 = tpu.vector_load %arg9[%get3A_394, %get3A_395] {strides = array<i32>} : memref<512x32xf32, #tpu.memory_space<vmem>>, vector<1x16xf32>,
      %get3A_397 = vector.shape_cast %get3A_396 : vector<1x16xf32> to vector<16xf32>
      %get3A_398 = arith.index_cast %add3A_393 : i32 to index
      %get3A_399 = arith.constant 16 : index
      %get3A_400 = tpu.vector_load %arg9[%get3A_398, %get3A_399] {strides = array<i32>} : memref<512x32xf32, #tpu.memory_space<vmem>>, vector<1x16xf32>,
      %get3A_401 = vector.shape_cast %get3A_400 : vector<1x16xf32> to vector<16xf32>
      %get3A_402 = arith.index_cast %add3A_393 : i32 to index
      %get3A_403 = arith.constant 0 : index
      %get3A_404 = tpu.vector_load %arg10[%get3A_402, %get3A_403] {strides = array<i32>} : memref<512x32xf32, #tpu.memory_space<vmem>>, vector<1x16xf32>,
      %get3A_405 = vector.shape_cast %get3A_404 : vector<1x16xf32> to vector<16xf32>
      %get3A_406 = arith.index_cast %add3A_393 : i32 to index
      %get3A_407 = arith.constant 16 : index
      %get3A_408 = tpu.vector_load %arg10[%get3A_406, %get3A_407] {strides = array<i32>} : memref<512x32xf32, #tpu.memory_space<vmem>>, vector<1x16xf32>,
      %get3A_409 = vector.shape_cast %get3A_408 : vector<1x16xf32> to vector<16xf32>
      %mul3A_410 = arith.mulf %get3A_397, %get3A_405 : vector<16xf32>
      %mul3A_411 = arith.mulf %get3A_401, %get3A_409 : vector<16xf32>
      %add3A_412 = arith.addf %mul3A_410, %mul3A_411 : vector<16xf32>
      %lt3A_413 = arith.constant 0 : i32
      %lt3A_414 = vector.broadcast %lt3A_413 : i32 to vector<16xi32>
      %lt3A_415 = arith.cmpi slt, %xor3A_166, %lt3A_414 : vector<16xi32>
      %add3A_416 = arith.constant 16 : i32
      %add3A_417 = vector.broadcast %add3A_416 : i32 to vector<16xi32>
      %add3A_418 = arith.addi %xor3A_166, %add3A_417 : vector<16xi32>
      %select_n3A_419 = arith.select %lt3A_415, %add3A_418, %xor3A_166 : vector<16xi1>, vector<16xi32>
      %broadcast_in_dim3A_420 = vector.shape_cast %select_n3A_419 : vector<16xi32> to vector<16x1xi32>
      %gather3A_421 = vector.shape_cast %broadcast_in_dim3A_420 : vector<16x1xi32> to vector<16xi32>
      %gather3A_422 = tpu.dynamic_gather %add3A_412[%gather3A_421] in [0] : vector<16xf32>, vector<16xi32> -> vector<16xf32>
      %add3A_423 = arith.addf %add3A_412, %gather3A_422 : vector<16xf32>
      %lt3A_424 = arith.constant 0 : i32
      %lt3A_425 = vector.broadcast %lt3A_424 : i32 to vector<16xi32>
      %lt3A_426 = arith.cmpi slt, %xor3A_169, %lt3A_425 : vector<16xi32>
      %add3A_427 = arith.constant 16 : i32
      %add3A_428 = vector.broadcast %add3A_427 : i32 to vector<16xi32>
      %add3A_429 = arith.addi %xor3A_169, %add3A_428 : vector<16xi32>
      %select_n3A_430 = arith.select %lt3A_426, %add3A_429, %xor3A_169 : vector<16xi1>, vector<16xi32>
      %broadcast_in_dim3A_431 = vector.shape_cast %select_n3A_430 : vector<16xi32> to vector<16x1xi32>
      %gather3A_432 = vector.shape_cast %broadcast_in_dim3A_431 : vector<16x1xi32> to vector<16xi32>
      %gather3A_433 = tpu.dynamic_gather %add3A_423[%gather3A_432] in [0] : vector<16xf32>, vector<16xi32> -> vector<16xf32>
      %add3A_434 = arith.addf %add3A_423, %gather3A_433 : vector<16xf32>
      %lt3A_435 = arith.constant 0 : i32
      %lt3A_436 = vector.broadcast %lt3A_435 : i32 to vector<16xi32>
      %lt3A_437 = arith.cmpi slt, %xor3A_172, %lt3A_436 : vector<16xi32>
      %add3A_438 = arith.constant 16 : i32
      %add3A_439 = vector.broadcast %add3A_438 : i32 to vector<16xi32>
      %add3A_440 = arith.addi %xor3A_172, %add3A_439 : vector<16xi32>
      %select_n3A_441 = arith.select %lt3A_437, %add3A_440, %xor3A_172 : vector<16xi1>, vector<16xi32>
      %broadcast_in_dim3A_442 = vector.shape_cast %select_n3A_441 : vector<16xi32> to vector<16x1xi32>
      %gather3A_443 = vector.shape_cast %broadcast_in_dim3A_442 : vector<16x1xi32> to vector<16xi32>
      %gather3A_444 = tpu.dynamic_gather %add3A_434[%gather3A_443] in [0] : vector<16xf32>, vector<16xi32> -> vector<16xf32>
      %add3A_445 = arith.addf %add3A_434, %gather3A_444 : vector<16xf32>
      %lt3A_446 = arith.constant 0 : i32
      %lt3A_447 = vector.broadcast %lt3A_446 : i32 to vector<16xi32>
      %lt3A_448 = arith.cmpi slt, %xor3A_175, %lt3A_447 : vector<16xi32>
      %add3A_449 = arith.constant 16 : i32
      %add3A_450 = vector.broadcast %add3A_449 : i32 to vector<16xi32>
      %add3A_451 = arith.addi %xor3A_175, %add3A_450 : vector<16xi32>
      %select_n3A_452 = arith.select %lt3A_448, %add3A_451, %xor3A_175 : vector<16xi1>, vector<16xi32>
      %broadcast_in_dim3A_453 = vector.shape_cast %select_n3A_452 : vector<16xi32> to vector<16x1xi32>
      %gather3A_454 = vector.shape_cast %broadcast_in_dim3A_453 : vector<16x1xi32> to vector<16xi32>
      %gather3A_455 = tpu.dynamic_gather %add3A_445[%gather3A_454] in [0] : vector<16xf32>, vector<16xi32> -> vector<16xf32>
      %add3A_456 = arith.addf %add3A_445, %gather3A_455 : vector<16xf32>
      %select_n3A_457 = arith.select %eq3A_391, %add3A_456, %select_n3A_388 : vector<16xi1>, vector<16xf32>
      %eq3A_458 = arith.constant 4 : i32
      %eq3A_459 = vector.broadcast %eq3A_458 : i32 to vector<16xi32>
      %eq3A_460 = arith.cmpi eq, %iota3A, %eq3A_459 : vector<16xi32>
      %add3A_461 = arith.constant 4 : i32
      %add3A_462 = arith.addi %mul3A_186, %add3A_461 : i32
      %get3A_463 = arith.index_cast %add3A_462 : i32 to index
      %get3A_464 = arith.constant 0 : index
      %get3A_465 = tpu.vector_load %arg9[%get3A_463, %get3A_464] {strides = array<i32>} : memref<512x32xf32, #tpu.memory_space<vmem>>, vector<1x16xf32>,
      %get3A_466 = vector.shape_cast %get3A_465 : vector<1x16xf32> to vector<16xf32>
      %get3A_467 = arith.index_cast %add3A_462 : i32 to index
      %get3A_468 = arith.constant 16 : index
      %get3A_469 = tpu.vector_load %arg9[%get3A_467, %get3A_468] {strides = array<i32>} : memref<512x32xf32, #tpu.memory_space<vmem>>, vector<1x16xf32>,
      %get3A_470 = vector.shape_cast %get3A_469 : vector<1x16xf32> to vector<16xf32>
      %get3A_471 = arith.index_cast %add3A_462 : i32 to index
      %get3A_472 = arith.constant 0 : index
      %get3A_473 = tpu.vector_load %arg10[%get3A_471, %get3A_472] {strides = array<i32>} : memref<512x32xf32, #tpu.memory_space<vmem>>, vector<1x16xf32>,
      %get3A_474 = vector.shape_cast %get3A_473 : vector<1x16xf32> to vector<16xf32>
      %get3A_475 = arith.index_cast %add3A_462 : i32 to index
      %get3A_476 = arith.constant 16 : index
      %get3A_477 = tpu.vector_load %arg10[%get3A_475, %get3A_476] {strides = array<i32>} : memref<512x32xf32, #tpu.memory_space<vmem>>, vector<1x16xf32>,
      %get3A_478 = vector.shape_cast %get3A_477 : vector<1x16xf32> to vector<16xf32>
      %mul3A_479 = arith.mulf %get3A_466, %get3A_474 : vector<16xf32>
      %mul3A_480 = arith.mulf %get3A_470, %get3A_478 : vector<16xf32>
      %add3A_481 = arith.addf %mul3A_479, %mul3A_480 : vector<16xf32>
      %lt3A_482 = arith.constant 0 : i32
      %lt3A_483 = vector.broadcast %lt3A_482 : i32 to vector<16xi32>
      %lt3A_484 = arith.cmpi slt, %xor3A_166, %lt3A_483 : vector<16xi32>
      %add3A_485 = arith.constant 16 : i32
      %add3A_486 = vector.broadcast %add3A_485 : i32 to vector<16xi32>
      %add3A_487 = arith.addi %xor3A_166, %add3A_486 : vector<16xi32>
      %select_n3A_488 = arith.select %lt3A_484, %add3A_487, %xor3A_166 : vector<16xi1>, vector<16xi32>
      %broadcast_in_dim3A_489 = vector.shape_cast %select_n3A_488 : vector<16xi32> to vector<16x1xi32>
      %gather3A_490 = vector.shape_cast %broadcast_in_dim3A_489 : vector<16x1xi32> to vector<16xi32>
      %gather3A_491 = tpu.dynamic_gather %add3A_481[%gather3A_490] in [0] : vector<16xf32>, vector<16xi32> -> vector<16xf32>
      %add3A_492 = arith.addf %add3A_481, %gather3A_491 : vector<16xf32>
      %lt3A_493 = arith.constant 0 : i32
      %lt3A_494 = vector.broadcast %lt3A_493 : i32 to vector<16xi32>
      %lt3A_495 = arith.cmpi slt, %xor3A_169, %lt3A_494 : vector<16xi32>
      %add3A_496 = arith.constant 16 : i32
      %add3A_497 = vector.broadcast %add3A_496 : i32 to vector<16xi32>
      %add3A_498 = arith.addi %xor3A_169, %add3A_497 : vector<16xi32>
      %select_n3A_499 = arith.select %lt3A_495, %add3A_498, %xor3A_169 : vector<16xi1>, vector<16xi32>
      %broadcast_in_dim3A_500 = vector.shape_cast %select_n3A_499 : vector<16xi32> to vector<16x1xi32>
      %gather3A_501 = vector.shape_cast %broadcast_in_dim3A_500 : vector<16x1xi32> to vector<16xi32>
      %gather3A_502 = tpu.dynamic_gather %add3A_492[%gather3A_501] in [0] : vector<16xf32>, vector<16xi32> -> vector<16xf32>
      %add3A_503 = arith.addf %add3A_492, %gather3A_502 : vector<16xf32>
      %lt3A_504 = arith.constant 0 : i32
      %lt3A_505 = vector.broadcast %lt3A_504 : i32 to vector<16xi32>
      %lt3A_506 = arith.cmpi slt, %xor3A_172, %lt3A_505 : vector<16xi32>
      %add3A_507 = arith.constant 16 : i32
      %add3A_508 = vector.broadcast %add3A_507 : i32 to vector<16xi32>
      %add3A_509 = arith.addi %xor3A_172, %add3A_508 : vector<16xi32>
      %select_n3A_510 = arith.select %lt3A_506, %add3A_509, %xor3A_172 : vector<16xi1>, vector<16xi32>
      %broadcast_in_dim3A_511 = vector.shape_cast %select_n3A_510 : vector<16xi32> to vector<16x1xi32>
      %gather3A_512 = vector.shape_cast %broadcast_in_dim3A_511 : vector<16x1xi32> to vector<16xi32>
      %gather3A_513 = tpu.dynamic_gather %add3A_503[%gather3A_512] in [0] : vector<16xf32>, vector<16xi32> -> vector<16xf32>
      %add3A_514 = arith.addf %add3A_503, %gather3A_513 : vector<16xf32>
      %lt3A_515 = arith.constant 0 : i32
      %lt3A_516 = vector.broadcast %lt3A_515 : i32 to vector<16xi32>
      %lt3A_517 = arith.cmpi slt, %xor3A_175, %lt3A_516 : vector<16xi32>
      %add3A_518 = arith.constant 16 : i32
      %add3A_519 = vector.broadcast %add3A_518 : i32 to vector<16xi32>
      %add3A_520 = arith.addi %xor3A_175, %add3A_519 : vector<16xi32>
      %select_n3A_521 = arith.select %lt3A_517, %add3A_520, %xor3A_175 : vector<16xi1>, vector<16xi32>
      %broadcast_in_dim3A_522 = vector.shape_cast %select_n3A_521 : vector<16xi32> to vector<16x1xi32>
      %gather3A_523 = vector.shape_cast %broadcast_in_dim3A_522 : vector<16x1xi32> to vector<16xi32>
      %gather3A_524 = tpu.dynamic_gather %add3A_514[%gather3A_523] in [0] : vector<16xf32>, vector<16xi32> -> vector<16xf32>
      %add3A_525 = arith.addf %add3A_514, %gather3A_524 : vector<16xf32>
      %select_n3A_526 = arith.select %eq3A_460, %add3A_525, %select_n3A_457 : vector<16xi1>, vector<16xf32>
      %eq3A_527 = arith.constant 5 : i32
      %eq3A_528 = vector.broadcast %eq3A_527 : i32 to vector<16xi32>
      %eq3A_529 = arith.cmpi eq, %iota3A, %eq3A_528 : vector<16xi32>
      %add3A_530 = arith.constant 5 : i32
      %add3A_531 = arith.addi %mul3A_186, %add3A_530 : i32
      %get3A_532 = arith.index_cast %add3A_531 : i32 to index
      %get3A_533 = arith.constant 0 : index
      %get3A_534 = tpu.vector_load %arg9[%get3A_532, %get3A_533] {strides = array<i32>} : memref<512x32xf32, #tpu.memory_space<vmem>>, vector<1x16xf32>,
      %get3A_535 = vector.shape_cast %get3A_534 : vector<1x16xf32> to vector<16xf32>
      %get3A_536 = arith.index_cast %add3A_531 : i32 to index
      %get3A_537 = arith.constant 16 : index
      %get3A_538 = tpu.vector_load %arg9[%get3A_536, %get3A_537] {strides = array<i32>} : memref<512x32xf32, #tpu.memory_space<vmem>>, vector<1x16xf32>,
      %get3A_539 = vector.shape_cast %get3A_538 : vector<1x16xf32> to vector<16xf32>
      %get3A_540 = arith.index_cast %add3A_531 : i32 to index
      %get3A_541 = arith.constant 0 : index
      %get3A_542 = tpu.vector_load %arg10[%get3A_540, %get3A_541] {strides = array<i32>} : memref<512x32xf32, #tpu.memory_space<vmem>>, vector<1x16xf32>,
      %get3A_543 = vector.shape_cast %get3A_542 : vector<1x16xf32> to vector<16xf32>
      %get3A_544 = arith.index_cast %add3A_531 : i32 to index
      %get3A_545 = arith.constant 16 : index
      %get3A_546 = tpu.vector_load %arg10[%get3A_544, %get3A_545] {strides = array<i32>} : memref<512x32xf32, #tpu.memory_space<vmem>>, vector<1x16xf32>,
      %get3A_547 = vector.shape_cast %get3A_546 : vector<1x16xf32> to vector<16xf32>
      %mul3A_548 = arith.mulf %get3A_535, %get3A_543 : vector<16xf32>
      %mul3A_549 = arith.mulf %get3A_539, %get3A_547 : vector<16xf32>
      %add3A_550 = arith.addf %mul3A_548, %mul3A_549 : vector<16xf32>
      %lt3A_551 = arith.constant 0 : i32
      %lt3A_552 = vector.broadcast %lt3A_551 : i32 to vector<16xi32>
      %lt3A_553 = arith.cmpi slt, %xor3A_166, %lt3A_552 : vector<16xi32>
      %add3A_554 = arith.constant 16 : i32
      %add3A_555 = vector.broadcast %add3A_554 : i32 to vector<16xi32>
      %add3A_556 = arith.addi %xor3A_166, %add3A_555 : vector<16xi32>
      %select_n3A_557 = arith.select %lt3A_553, %add3A_556, %xor3A_166 : vector<16xi1>, vector<16xi32>
      %broadcast_in_dim3A_558 = vector.shape_cast %select_n3A_557 : vector<16xi32> to vector<16x1xi32>
      %gather3A_559 = vector.shape_cast %broadcast_in_dim3A_558 : vector<16x1xi32> to vector<16xi32>
      %gather3A_560 = tpu.dynamic_gather %add3A_550[%gather3A_559] in [0] : vector<16xf32>, vector<16xi32> -> vector<16xf32>
      %add3A_561 = arith.addf %add3A_550, %gather3A_560 : vector<16xf32>
      %lt3A_562 = arith.constant 0 : i32
      %lt3A_563 = vector.broadcast %lt3A_562 : i32 to vector<16xi32>
      %lt3A_564 = arith.cmpi slt, %xor3A_169, %lt3A_563 : vector<16xi32>
      %add3A_565 = arith.constant 16 : i32
      %add3A_566 = vector.broadcast %add3A_565 : i32 to vector<16xi32>
      %add3A_567 = arith.addi %xor3A_169, %add3A_566 : vector<16xi32>
      %select_n3A_568 = arith.select %lt3A_564, %add3A_567, %xor3A_169 : vector<16xi1>, vector<16xi32>
      %broadcast_in_dim3A_569 = vector.shape_cast %select_n3A_568 : vector<16xi32> to vector<16x1xi32>
      %gather3A_570 = vector.shape_cast %broadcast_in_dim3A_569 : vector<16x1xi32> to vector<16xi32>
      %gather3A_571 = tpu.dynamic_gather %add3A_561[%gather3A_570] in [0] : vector<16xf32>, vector<16xi32> -> vector<16xf32>
      %add3A_572 = arith.addf %add3A_561, %gather3A_571 : vector<16xf32>
      %lt3A_573 = arith.constant 0 : i32
      %lt3A_574 = vector.broadcast %lt3A_573 : i32 to vector<16xi32>
      %lt3A_575 = arith.cmpi slt, %xor3A_172, %lt3A_574 : vector<16xi32>
      %add3A_576 = arith.constant 16 : i32
      %add3A_577 = vector.broadcast %add3A_576 : i32 to vector<16xi32>
      %add3A_578 = arith.addi %xor3A_172, %add3A_577 : vector<16xi32>
      %select_n3A_579 = arith.select %lt3A_575, %add3A_578, %xor3A_172 : vector<16xi1>, vector<16xi32>
      %broadcast_in_dim3A_580 = vector.shape_cast %select_n3A_579 : vector<16xi32> to vector<16x1xi32>
      %gather3A_581 = vector.shape_cast %broadcast_in_dim3A_580 : vector<16x1xi32> to vector<16xi32>
      %gather3A_582 = tpu.dynamic_gather %add3A_572[%gather3A_581] in [0] : vector<16xf32>, vector<16xi32> -> vector<16xf32>
      %add3A_583 = arith.addf %add3A_572, %gather3A_582 : vector<16xf32>
      %lt3A_584 = arith.constant 0 : i32
      %lt3A_585 = vector.broadcast %lt3A_584 : i32 to vector<16xi32>
      %lt3A_586 = arith.cmpi slt, %xor3A_175, %lt3A_585 : vector<16xi32>
      %add3A_587 = arith.constant 16 : i32
      %add3A_588 = vector.broadcast %add3A_587 : i32 to vector<16xi32>
      %add3A_589 = arith.addi %xor3A_175, %add3A_588 : vector<16xi32>
      %select_n3A_590 = arith.select %lt3A_586, %add3A_589, %xor3A_175 : vector<16xi1>, vector<16xi32>
      %broadcast_in_dim3A_591 = vector.shape_cast %select_n3A_590 : vector<16xi32> to vector<16x1xi32>
      %gather3A_592 = vector.shape_cast %broadcast_in_dim3A_591 : vector<16x1xi32> to vector<16xi32>
      %gather3A_593 = tpu.dynamic_gather %add3A_583[%gather3A_592] in [0] : vector<16xf32>, vector<16xi32> -> vector<16xf32>
      %add3A_594 = arith.addf %add3A_583, %gather3A_593 : vector<16xf32>
      %select_n3A_595 = arith.select %eq3A_529, %add3A_594, %select_n3A_526 : vector<16xi1>, vector<16xf32>
      %eq3A_596 = arith.constant 6 : i32
      %eq3A_597 = vector.broadcast %eq3A_596 : i32 to vector<16xi32>
      %eq3A_598 = arith.cmpi eq, %iota3A, %eq3A_597 : vector<16xi32>
      %add3A_599 = arith.constant 6 : i32
      %add3A_600 = arith.addi %mul3A_186, %add3A_599 : i32
      %get3A_601 = arith.index_cast %add3A_600 : i32 to index
      %get3A_602 = arith.constant 0 : index
      %get3A_603 = tpu.vector_load %arg9[%get3A_601, %get3A_602] {strides = array<i32>} : memref<512x32xf32, #tpu.memory_space<vmem>>, vector<1x16xf32>,
      %get3A_604 = vector.shape_cast %get3A_603 : vector<1x16xf32> to vector<16xf32>
      %get3A_605 = arith.index_cast %add3A_600 : i32 to index
      %get3A_606 = arith.constant 16 : index
      %get3A_607 = tpu.vector_load %arg9[%get3A_605, %get3A_606] {strides = array<i32>} : memref<512x32xf32, #tpu.memory_space<vmem>>, vector<1x16xf32>,
      %get3A_608 = vector.shape_cast %get3A_607 : vector<1x16xf32> to vector<16xf32>
      %get3A_609 = arith.index_cast %add3A_600 : i32 to index
      %get3A_610 = arith.constant 0 : index
      %get3A_611 = tpu.vector_load %arg10[%get3A_609, %get3A_610] {strides = array<i32>} : memref<512x32xf32, #tpu.memory_space<vmem>>, vector<1x16xf32>,
      %get3A_612 = vector.shape_cast %get3A_611 : vector<1x16xf32> to vector<16xf32>
      %get3A_613 = arith.index_cast %add3A_600 : i32 to index
      %get3A_614 = arith.constant 16 : index
      %get3A_615 = tpu.vector_load %arg10[%get3A_613, %get3A_614] {strides = array<i32>} : memref<512x32xf32, #tpu.memory_space<vmem>>, vector<1x16xf32>,
      %get3A_616 = vector.shape_cast %get3A_615 : vector<1x16xf32> to vector<16xf32>
      %mul3A_617 = arith.mulf %get3A_604, %get3A_612 : vector<16xf32>
      %mul3A_618 = arith.mulf %get3A_608, %get3A_616 : vector<16xf32>
      %add3A_619 = arith.addf %mul3A_617, %mul3A_618 : vector<16xf32>
      %lt3A_620 = arith.constant 0 : i32
      %lt3A_621 = vector.broadcast %lt3A_620 : i32 to vector<16xi32>
      %lt3A_622 = arith.cmpi slt, %xor3A_166, %lt3A_621 : vector<16xi32>
      %add3A_623 = arith.constant 16 : i32
      %add3A_624 = vector.broadcast %add3A_623 : i32 to vector<16xi32>
      %add3A_625 = arith.addi %xor3A_166, %add3A_624 : vector<16xi32>
      %select_n3A_626 = arith.select %lt3A_622, %add3A_625, %xor3A_166 : vector<16xi1>, vector<16xi32>
      %broadcast_in_dim3A_627 = vector.shape_cast %select_n3A_626 : vector<16xi32> to vector<16x1xi32>
      %gather3A_628 = vector.shape_cast %broadcast_in_dim3A_627 : vector<16x1xi32> to vector<16xi32>
      %gather3A_629 = tpu.dynamic_gather %add3A_619[%gather3A_628] in [0] : vector<16xf32>, vector<16xi32> -> vector<16xf32>
      %add3A_630 = arith.addf %add3A_619, %gather3A_629 : vector<16xf32>
      %lt3A_631 = arith.constant 0 : i32
      %lt3A_632 = vector.broadcast %lt3A_631 : i32 to vector<16xi32>
      %lt3A_633 = arith.cmpi slt, %xor3A_169, %lt3A_632 : vector<16xi32>
      %add3A_634 = arith.constant 16 : i32
      %add3A_635 = vector.broadcast %add3A_634 : i32 to vector<16xi32>
      %add3A_636 = arith.addi %xor3A_169, %add3A_635 : vector<16xi32>
      %select_n3A_637 = arith.select %lt3A_633, %add3A_636, %xor3A_169 : vector<16xi1>, vector<16xi32>
      %broadcast_in_dim3A_638 = vector.shape_cast %select_n3A_637 : vector<16xi32> to vector<16x1xi32>
      %gather3A_639 = vector.shape_cast %broadcast_in_dim3A_638 : vector<16x1xi32> to vector<16xi32>
      %gather3A_640 = tpu.dynamic_gather %add3A_630[%gather3A_639] in [0] : vector<16xf32>, vector<16xi32> -> vector<16xf32>
      %add3A_641 = arith.addf %add3A_630, %gather3A_640 : vector<16xf32>
      %lt3A_642 = arith.constant 0 : i32
      %lt3A_643 = vector.broadcast %lt3A_642 : i32 to vector<16xi32>
      %lt3A_644 = arith.cmpi slt, %xor3A_172, %lt3A_643 : vector<16xi32>
      %add3A_645 = arith.constant 16 : i32
      %add3A_646 = vector.broadcast %add3A_645 : i32 to vector<16xi32>
      %add3A_647 = arith.addi %xor3A_172, %add3A_646 : vector<16xi32>
      %select_n3A_648 = arith.select %lt3A_644, %add3A_647, %xor3A_172 : vector<16xi1>, vector<16xi32>
      %broadcast_in_dim3A_649 = vector.shape_cast %select_n3A_648 : vector<16xi32> to vector<16x1xi32>
      %gather3A_650 = vector.shape_cast %broadcast_in_dim3A_649 : vector<16x1xi32> to vector<16xi32>
      %gather3A_651 = tpu.dynamic_gather %add3A_641[%gather3A_650] in [0] : vector<16xf32>, vector<16xi32> -> vector<16xf32>
      %add3A_652 = arith.addf %add3A_641, %gather3A_651 : vector<16xf32>
      %lt3A_653 = arith.constant 0 : i32
      %lt3A_654 = vector.broadcast %lt3A_653 : i32 to vector<16xi32>
      %lt3A_655 = arith.cmpi slt, %xor3A_175, %lt3A_654 : vector<16xi32>
      %add3A_656 = arith.constant 16 : i32
      %add3A_657 = vector.broadcast %add3A_656 : i32 to vector<16xi32>
      %add3A_658 = arith.addi %xor3A_175, %add3A_657 : vector<16xi32>
      %select_n3A_659 = arith.select %lt3A_655, %add3A_658, %xor3A_175 : vector<16xi1>, vector<16xi32>
      %broadcast_in_dim3A_660 = vector.shape_cast %select_n3A_659 : vector<16xi32> to vector<16x1xi32>
      %gather3A_661 = vector.shape_cast %broadcast_in_dim3A_660 : vector<16x1xi32> to vector<16xi32>
      %gather3A_662 = tpu.dynamic_gather %add3A_652[%gather3A_661] in [0] : vector<16xf32>, vector<16xi32> -> vector<16xf32>
      %add3A_663 = arith.addf %add3A_652, %gather3A_662 : vector<16xf32>
      %select_n3A_664 = arith.select %eq3A_598, %add3A_663, %select_n3A_595 : vector<16xi1>, vector<16xf32>
      %eq3A_665 = arith.constant 7 : i32
      %eq3A_666 = vector.broadcast %eq3A_665 : i32 to vector<16xi32>
      %eq3A_667 = arith.cmpi eq, %iota3A, %eq3A_666 : vector<16xi32>
      %add3A_668 = arith.constant 7 : i32
      %add3A_669 = arith.addi %mul3A_186, %add3A_668 : i32
      %get3A_670 = arith.index_cast %add3A_669 : i32 to index
      %get3A_671 = arith.constant 0 : index
      %get3A_672 = tpu.vector_load %arg9[%get3A_670, %get3A_671] {strides = array<i32>} : memref<512x32xf32, #tpu.memory_space<vmem>>, vector<1x16xf32>,
      %get3A_673 = vector.shape_cast %get3A_672 : vector<1x16xf32> to vector<16xf32>
      %get3A_674 = arith.index_cast %add3A_669 : i32 to index
      %get3A_675 = arith.constant 16 : index
      %get3A_676 = tpu.vector_load %arg9[%get3A_674, %get3A_675] {strides = array<i32>} : memref<512x32xf32, #tpu.memory_space<vmem>>, vector<1x16xf32>,
      %get3A_677 = vector.shape_cast %get3A_676 : vector<1x16xf32> to vector<16xf32>
      %get3A_678 = arith.index_cast %add3A_669 : i32 to index
      %get3A_679 = arith.constant 0 : index
      %get3A_680 = tpu.vector_load %arg10[%get3A_678, %get3A_679] {strides = array<i32>} : memref<512x32xf32, #tpu.memory_space<vmem>>, vector<1x16xf32>,
      %get3A_681 = vector.shape_cast %get3A_680 : vector<1x16xf32> to vector<16xf32>
      %get3A_682 = arith.index_cast %add3A_669 : i32 to index
      %get3A_683 = arith.constant 16 : index
      %get3A_684 = tpu.vector_load %arg10[%get3A_682, %get3A_683] {strides = array<i32>} : memref<512x32xf32, #tpu.memory_space<vmem>>, vector<1x16xf32>,
      %get3A_685 = vector.shape_cast %get3A_684 : vector<1x16xf32> to vector<16xf32>
      %mul3A_686 = arith.mulf %get3A_673, %get3A_681 : vector<16xf32>
      %mul3A_687 = arith.mulf %get3A_677, %get3A_685 : vector<16xf32>
      %add3A_688 = arith.addf %mul3A_686, %mul3A_687 : vector<16xf32>
      %lt3A_689 = arith.constant 0 : i32
      %lt3A_690 = vector.broadcast %lt3A_689 : i32 to vector<16xi32>
      %lt3A_691 = arith.cmpi slt, %xor3A_166, %lt3A_690 : vector<16xi32>
      %add3A_692 = arith.constant 16 : i32
      %add3A_693 = vector.broadcast %add3A_692 : i32 to vector<16xi32>
      %add3A_694 = arith.addi %xor3A_166, %add3A_693 : vector<16xi32>
      %select_n3A_695 = arith.select %lt3A_691, %add3A_694, %xor3A_166 : vector<16xi1>, vector<16xi32>
      %broadcast_in_dim3A_696 = vector.shape_cast %select_n3A_695 : vector<16xi32> to vector<16x1xi32>
      %gather3A_697 = vector.shape_cast %broadcast_in_dim3A_696 : vector<16x1xi32> to vector<16xi32>
      %gather3A_698 = tpu.dynamic_gather %add3A_688[%gather3A_697] in [0] : vector<16xf32>, vector<16xi32> -> vector<16xf32>
      %add3A_699 = arith.addf %add3A_688, %gather3A_698 : vector<16xf32>
      %lt3A_700 = arith.constant 0 : i32
      %lt3A_701 = vector.broadcast %lt3A_700 : i32 to vector<16xi32>
      %lt3A_702 = arith.cmpi slt, %xor3A_169, %lt3A_701 : vector<16xi32>
      %add3A_703 = arith.constant 16 : i32
      %add3A_704 = vector.broadcast %add3A_703 : i32 to vector<16xi32>
      %add3A_705 = arith.addi %xor3A_169, %add3A_704 : vector<16xi32>
      %select_n3A_706 = arith.select %lt3A_702, %add3A_705, %xor3A_169 : vector<16xi1>, vector<16xi32>
      %broadcast_in_dim3A_707 = vector.shape_cast %select_n3A_706 : vector<16xi32> to vector<16x1xi32>
      %gather3A_708 = vector.shape_cast %broadcast_in_dim3A_707 : vector<16x1xi32> to vector<16xi32>
      %gather3A_709 = tpu.dynamic_gather %add3A_699[%gather3A_708] in [0] : vector<16xf32>, vector<16xi32> -> vector<16xf32>
      %add3A_710 = arith.addf %add3A_699, %gather3A_709 : vector<16xf32>
      %lt3A_711 = arith.constant 0 : i32
      %lt3A_712 = vector.broadcast %lt3A_711 : i32 to vector<16xi32>
      %lt3A_713 = arith.cmpi slt, %xor3A_172, %lt3A_712 : vector<16xi32>
      %add3A_714 = arith.constant 16 : i32
      %add3A_715 = vector.broadcast %add3A_714 : i32 to vector<16xi32>
      %add3A_716 = arith.addi %xor3A_172, %add3A_715 : vector<16xi32>
      %select_n3A_717 = arith.select %lt3A_713, %add3A_716, %xor3A_172 : vector<16xi1>, vector<16xi32>
      %broadcast_in_dim3A_718 = vector.shape_cast %select_n3A_717 : vector<16xi32> to vector<16x1xi32>
      %gather3A_719 = vector.shape_cast %broadcast_in_dim3A_718 : vector<16x1xi32> to vector<16xi32>
      %gather3A_720 = tpu.dynamic_gather %add3A_710[%gather3A_719] in [0] : vector<16xf32>, vector<16xi32> -> vector<16xf32>
      %add3A_721 = arith.addf %add3A_710, %gather3A_720 : vector<16xf32>
      %lt3A_722 = arith.constant 0 : i32
      %lt3A_723 = vector.broadcast %lt3A_722 : i32 to vector<16xi32>
      %lt3A_724 = arith.cmpi slt, %xor3A_175, %lt3A_723 : vector<16xi32>
      %add3A_725 = arith.constant 16 : i32
      %add3A_726 = vector.broadcast %add3A_725 : i32 to vector<16xi32>
      %add3A_727 = arith.addi %xor3A_175, %add3A_726 : vector<16xi32>
      %select_n3A_728 = arith.select %lt3A_724, %add3A_727, %xor3A_175 : vector<16xi1>, vector<16xi32>
      %broadcast_in_dim3A_729 = vector.shape_cast %select_n3A_728 : vector<16xi32> to vector<16x1xi32>
      %gather3A_730 = vector.shape_cast %broadcast_in_dim3A_729 : vector<16x1xi32> to vector<16xi32>
      %gather3A_731 = tpu.dynamic_gather %add3A_721[%gather3A_730] in [0] : vector<16xf32>, vector<16xi32> -> vector<16xf32>
      %add3A_732 = arith.addf %add3A_721, %gather3A_731 : vector<16xf32>
      %select_n3A_733 = arith.select %eq3A_667, %add3A_732, %select_n3A_664 : vector<16xi1>, vector<16xf32>
      %eq3A_734 = arith.constant 8 : i32
      %eq3A_735 = vector.broadcast %eq3A_734 : i32 to vector<16xi32>
      %eq3A_736 = arith.cmpi eq, %iota3A, %eq3A_735 : vector<16xi32>
      %add3A_737 = arith.constant 8 : i32
      %add3A_738 = arith.addi %mul3A_186, %add3A_737 : i32
      %get3A_739 = arith.index_cast %add3A_738 : i32 to index
      %get3A_740 = arith.constant 0 : index
      %get3A_741 = tpu.vector_load %arg9[%get3A_739, %get3A_740] {strides = array<i32>} : memref<512x32xf32, #tpu.memory_space<vmem>>, vector<1x16xf32>,
      %get3A_742 = vector.shape_cast %get3A_741 : vector<1x16xf32> to vector<16xf32>
      %get3A_743 = arith.index_cast %add3A_738 : i32 to index
      %get3A_744 = arith.constant 16 : index
      %get3A_745 = tpu.vector_load %arg9[%get3A_743, %get3A_744] {strides = array<i32>} : memref<512x32xf32, #tpu.memory_space<vmem>>, vector<1x16xf32>,
      %get3A_746 = vector.shape_cast %get3A_745 : vector<1x16xf32> to vector<16xf32>
      %get3A_747 = arith.index_cast %add3A_738 : i32 to index
      %get3A_748 = arith.constant 0 : index
      %get3A_749 = tpu.vector_load %arg10[%get3A_747, %get3A_748] {strides = array<i32>} : memref<512x32xf32, #tpu.memory_space<vmem>>, vector<1x16xf32>,
      %get3A_750 = vector.shape_cast %get3A_749 : vector<1x16xf32> to vector<16xf32>
      %get3A_751 = arith.index_cast %add3A_738 : i32 to index
      %get3A_752 = arith.constant 16 : index
      %get3A_753 = tpu.vector_load %arg10[%get3A_751, %get3A_752] {strides = array<i32>} : memref<512x32xf32, #tpu.memory_space<vmem>>, vector<1x16xf32>,
      %get3A_754 = vector.shape_cast %get3A_753 : vector<1x16xf32> to vector<16xf32>
      %mul3A_755 = arith.mulf %get3A_742, %get3A_750 : vector<16xf32>
      %mul3A_756 = arith.mulf %get3A_746, %get3A_754 : vector<16xf32>
      %add3A_757 = arith.addf %mul3A_755, %mul3A_756 : vector<16xf32>
      %lt3A_758 = arith.constant 0 : i32
      %lt3A_759 = vector.broadcast %lt3A_758 : i32 to vector<16xi32>
      %lt3A_760 = arith.cmpi slt, %xor3A_166, %lt3A_759 : vector<16xi32>
      %add3A_761 = arith.constant 16 : i32
      %add3A_762 = vector.broadcast %add3A_761 : i32 to vector<16xi32>
      %add3A_763 = arith.addi %xor3A_166, %add3A_762 : vector<16xi32>
      %select_n3A_764 = arith.select %lt3A_760, %add3A_763, %xor3A_166 : vector<16xi1>, vector<16xi32>
      %broadcast_in_dim3A_765 = vector.shape_cast %select_n3A_764 : vector<16xi32> to vector<16x1xi32>
      %gather3A_766 = vector.shape_cast %broadcast_in_dim3A_765 : vector<16x1xi32> to vector<16xi32>
      %gather3A_767 = tpu.dynamic_gather %add3A_757[%gather3A_766] in [0] : vector<16xf32>, vector<16xi32> -> vector<16xf32>
      %add3A_768 = arith.addf %add3A_757, %gather3A_767 : vector<16xf32>
      %lt3A_769 = arith.constant 0 : i32
      %lt3A_770 = vector.broadcast %lt3A_769 : i32 to vector<16xi32>
      %lt3A_771 = arith.cmpi slt, %xor3A_169, %lt3A_770 : vector<16xi32>
      %add3A_772 = arith.constant 16 : i32
      %add3A_773 = vector.broadcast %add3A_772 : i32 to vector<16xi32>
      %add3A_774 = arith.addi %xor3A_169, %add3A_773 : vector<16xi32>
      %select_n3A_775 = arith.select %lt3A_771, %add3A_774, %xor3A_169 : vector<16xi1>, vector<16xi32>
      %broadcast_in_dim3A_776 = vector.shape_cast %select_n3A_775 : vector<16xi32> to vector<16x1xi32>
      %gather3A_777 = vector.shape_cast %broadcast_in_dim3A_776 : vector<16x1xi32> to vector<16xi32>
      %gather3A_778 = tpu.dynamic_gather %add3A_768[%gather3A_777] in [0] : vector<16xf32>, vector<16xi32> -> vector<16xf32>
      %add3A_779 = arith.addf %add3A_768, %gather3A_778 : vector<16xf32>
      %lt3A_780 = arith.constant 0 : i32
      %lt3A_781 = vector.broadcast %lt3A_780 : i32 to vector<16xi32>
      %lt3A_782 = arith.cmpi slt, %xor3A_172, %lt3A_781 : vector<16xi32>
      %add3A_783 = arith.constant 16 : i32
      %add3A_784 = vector.broadcast %add3A_783 : i32 to vector<16xi32>
      %add3A_785 = arith.addi %xor3A_172, %add3A_784 : vector<16xi32>
      %select_n3A_786 = arith.select %lt3A_782, %add3A_785, %xor3A_172 : vector<16xi1>, vector<16xi32>
      %broadcast_in_dim3A_787 = vector.shape_cast %select_n3A_786 : vector<16xi32> to vector<16x1xi32>
      %gather3A_788 = vector.shape_cast %broadcast_in_dim3A_787 : vector<16x1xi32> to vector<16xi32>
      %gather3A_789 = tpu.dynamic_gather %add3A_779[%gather3A_788] in [0] : vector<16xf32>, vector<16xi32> -> vector<16xf32>
      %add3A_790 = arith.addf %add3A_779, %gather3A_789 : vector<16xf32>
      %lt3A_791 = arith.constant 0 : i32
      %lt3A_792 = vector.broadcast %lt3A_791 : i32 to vector<16xi32>
      %lt3A_793 = arith.cmpi slt, %xor3A_175, %lt3A_792 : vector<16xi32>
      %add3A_794 = arith.constant 16 : i32
      %add3A_795 = vector.broadcast %add3A_794 : i32 to vector<16xi32>
      %add3A_796 = arith.addi %xor3A_175, %add3A_795 : vector<16xi32>
      %select_n3A_797 = arith.select %lt3A_793, %add3A_796, %xor3A_175 : vector<16xi1>, vector<16xi32>
      %broadcast_in_dim3A_798 = vector.shape_cast %select_n3A_797 : vector<16xi32> to vector<16x1xi32>
      %gather3A_799 = vector.shape_cast %broadcast_in_dim3A_798 : vector<16x1xi32> to vector<16xi32>
      %gather3A_800 = tpu.dynamic_gather %add3A_790[%gather3A_799] in [0] : vector<16xf32>, vector<16xi32> -> vector<16xf32>
      %add3A_801 = arith.addf %add3A_790, %gather3A_800 : vector<16xf32>
      %select_n3A_802 = arith.select %eq3A_736, %add3A_801, %select_n3A_733 : vector<16xi1>, vector<16xf32>
      %eq3A_803 = arith.constant 9 : i32
      %eq3A_804 = vector.broadcast %eq3A_803 : i32 to vector<16xi32>
      %eq3A_805 = arith.cmpi eq, %iota3A, %eq3A_804 : vector<16xi32>
      %add3A_806 = arith.constant 9 : i32
      %add3A_807 = arith.addi %mul3A_186, %add3A_806 : i32
      %get3A_808 = arith.index_cast %add3A_807 : i32 to index
      %get3A_809 = arith.constant 0 : index
      %get3A_810 = tpu.vector_load %arg9[%get3A_808, %get3A_809] {strides = array<i32>} : memref<512x32xf32, #tpu.memory_space<vmem>>, vector<1x16xf32>,
      %get3A_811 = vector.shape_cast %get3A_810 : vector<1x16xf32> to vector<16xf32>
      %get3A_812 = arith.index_cast %add3A_807 : i32 to index
      %get3A_813 = arith.constant 16 : index
      %get3A_814 = tpu.vector_load %arg9[%get3A_812, %get3A_813] {strides = array<i32>} : memref<512x32xf32, #tpu.memory_space<vmem>>, vector<1x16xf32>,
      %get3A_815 = vector.shape_cast %get3A_814 : vector<1x16xf32> to vector<16xf32>
      %get3A_816 = arith.index_cast %add3A_807 : i32 to index
      %get3A_817 = arith.constant 0 : index
      %get3A_818 = tpu.vector_load %arg10[%get3A_816, %get3A_817] {strides = array<i32>} : memref<512x32xf32, #tpu.memory_space<vmem>>, vector<1x16xf32>,
      %get3A_819 = vector.shape_cast %get3A_818 : vector<1x16xf32> to vector<16xf32>
      %get3A_820 = arith.index_cast %add3A_807 : i32 to index
      %get3A_821 = arith.constant 16 : index
      %get3A_822 = tpu.vector_load %arg10[%get3A_820, %get3A_821] {strides = array<i32>} : memref<512x32xf32, #tpu.memory_space<vmem>>, vector<1x16xf32>,
      %get3A_823 = vector.shape_cast %get3A_822 : vector<1x16xf32> to vector<16xf32>
      %mul3A_824 = arith.mulf %get3A_811, %get3A_819 : vector<16xf32>
      %mul3A_825 = arith.mulf %get3A_815, %get3A_823 : vector<16xf32>
      %add3A_826 = arith.addf %mul3A_824, %mul3A_825 : vector<16xf32>
      %lt3A_827 = arith.constant 0 : i32
      %lt3A_828 = vector.broadcast %lt3A_827 : i32 to vector<16xi32>
      %lt3A_829 = arith.cmpi slt, %xor3A_166, %lt3A_828 : vector<16xi32>
      %add3A_830 = arith.constant 16 : i32
      %add3A_831 = vector.broadcast %add3A_830 : i32 to vector<16xi32>
      %add3A_832 = arith.addi %xor3A_166, %add3A_831 : vector<16xi32>
      %select_n3A_833 = arith.select %lt3A_829, %add3A_832, %xor3A_166 : vector<16xi1>, vector<16xi32>
      %broadcast_in_dim3A_834 = vector.shape_cast %select_n3A_833 : vector<16xi32> to vector<16x1xi32>
      %gather3A_835 = vector.shape_cast %broadcast_in_dim3A_834 : vector<16x1xi32> to vector<16xi32>
      %gather3A_836 = tpu.dynamic_gather %add3A_826[%gather3A_835] in [0] : vector<16xf32>, vector<16xi32> -> vector<16xf32>
      %add3A_837 = arith.addf %add3A_826, %gather3A_836 : vector<16xf32>
      %lt3A_838 = arith.constant 0 : i32
      %lt3A_839 = vector.broadcast %lt3A_838 : i32 to vector<16xi32>
      %lt3A_840 = arith.cmpi slt, %xor3A_169, %lt3A_839 : vector<16xi32>
      %add3A_841 = arith.constant 16 : i32
      %add3A_842 = vector.broadcast %add3A_841 : i32 to vector<16xi32>
      %add3A_843 = arith.addi %xor3A_169, %add3A_842 : vector<16xi32>
      %select_n3A_844 = arith.select %lt3A_840, %add3A_843, %xor3A_169 : vector<16xi1>, vector<16xi32>
      %broadcast_in_dim3A_845 = vector.shape_cast %select_n3A_844 : vector<16xi32> to vector<16x1xi32>
      %gather3A_846 = vector.shape_cast %broadcast_in_dim3A_845 : vector<16x1xi32> to vector<16xi32>
      %gather3A_847 = tpu.dynamic_gather %add3A_837[%gather3A_846] in [0] : vector<16xf32>, vector<16xi32> -> vector<16xf32>
      %add3A_848 = arith.addf %add3A_837, %gather3A_847 : vector<16xf32>
      %lt3A_849 = arith.constant 0 : i32
      %lt3A_850 = vector.broadcast %lt3A_849 : i32 to vector<16xi32>
      %lt3A_851 = arith.cmpi slt, %xor3A_172, %lt3A_850 : vector<16xi32>
      %add3A_852 = arith.constant 16 : i32
      %add3A_853 = vector.broadcast %add3A_852 : i32 to vector<16xi32>
      %add3A_854 = arith.addi %xor3A_172, %add3A_853 : vector<16xi32>
      %select_n3A_855 = arith.select %lt3A_851, %add3A_854, %xor3A_172 : vector<16xi1>, vector<16xi32>
      %broadcast_in_dim3A_856 = vector.shape_cast %select_n3A_855 : vector<16xi32> to vector<16x1xi32>
      %gather3A_857 = vector.shape_cast %broadcast_in_dim3A_856 : vector<16x1xi32> to vector<16xi32>
      %gather3A_858 = tpu.dynamic_gather %add3A_848[%gather3A_857] in [0] : vector<16xf32>, vector<16xi32> -> vector<16xf32>
      %add3A_859 = arith.addf %add3A_848, %gather3A_858 : vector<16xf32>
      %lt3A_860 = arith.constant 0 : i32
      %lt3A_861 = vector.broadcast %lt3A_860 : i32 to vector<16xi32>
      %lt3A_862 = arith.cmpi slt, %xor3A_175, %lt3A_861 : vector<16xi32>
      %add3A_863 = arith.constant 16 : i32
      %add3A_864 = vector.broadcast %add3A_863 : i32 to vector<16xi32>
      %add3A_865 = arith.addi %xor3A_175, %add3A_864 : vector<16xi32>
      %select_n3A_866 = arith.select %lt3A_862, %add3A_865, %xor3A_175 : vector<16xi1>, vector<16xi32>
      %broadcast_in_dim3A_867 = vector.shape_cast %select_n3A_866 : vector<16xi32> to vector<16x1xi32>
      %gather3A_868 = vector.shape_cast %broadcast_in_dim3A_867 : vector<16x1xi32> to vector<16xi32>
      %gather3A_869 = tpu.dynamic_gather %add3A_859[%gather3A_868] in [0] : vector<16xf32>, vector<16xi32> -> vector<16xf32>
      %add3A_870 = arith.addf %add3A_859, %gather3A_869 : vector<16xf32>
      %select_n3A_871 = arith.select %eq3A_805, %add3A_870, %select_n3A_802 : vector<16xi1>, vector<16xf32>
      %eq3A_872 = arith.constant 10 : i32
      %eq3A_873 = vector.broadcast %eq3A_872 : i32 to vector<16xi32>
      %eq3A_874 = arith.cmpi eq, %iota3A, %eq3A_873 : vector<16xi32>
      %add3A_875 = arith.constant 10 : i32
      %add3A_876 = arith.addi %mul3A_186, %add3A_875 : i32
      %get3A_877 = arith.index_cast %add3A_876 : i32 to index
      %get3A_878 = arith.constant 0 : index
      %get3A_879 = tpu.vector_load %arg9[%get3A_877, %get3A_878] {strides = array<i32>} : memref<512x32xf32, #tpu.memory_space<vmem>>, vector<1x16xf32>,
      %get3A_880 = vector.shape_cast %get3A_879 : vector<1x16xf32> to vector<16xf32>
      %get3A_881 = arith.index_cast %add3A_876 : i32 to index
      %get3A_882 = arith.constant 16 : index
      %get3A_883 = tpu.vector_load %arg9[%get3A_881, %get3A_882] {strides = array<i32>} : memref<512x32xf32, #tpu.memory_space<vmem>>, vector<1x16xf32>,
      %get3A_884 = vector.shape_cast %get3A_883 : vector<1x16xf32> to vector<16xf32>
      %get3A_885 = arith.index_cast %add3A_876 : i32 to index
      %get3A_886 = arith.constant 0 : index
      %get3A_887 = tpu.vector_load %arg10[%get3A_885, %get3A_886] {strides = array<i32>} : memref<512x32xf32, #tpu.memory_space<vmem>>, vector<1x16xf32>,
      %get3A_888 = vector.shape_cast %get3A_887 : vector<1x16xf32> to vector<16xf32>
      %get3A_889 = arith.index_cast %add3A_876 : i32 to index
      %get3A_890 = arith.constant 16 : index
      %get3A_891 = tpu.vector_load %arg10[%get3A_889, %get3A_890] {strides = array<i32>} : memref<512x32xf32, #tpu.memory_space<vmem>>, vector<1x16xf32>,
      %get3A_892 = vector.shape_cast %get3A_891 : vector<1x16xf32> to vector<16xf32>
      %mul3A_893 = arith.mulf %get3A_880, %get3A_888 : vector<16xf32>
      %mul3A_894 = arith.mulf %get3A_884, %get3A_892 : vector<16xf32>
      %add3A_895 = arith.addf %mul3A_893, %mul3A_894 : vector<16xf32>
      %lt3A_896 = arith.constant 0 : i32
      %lt3A_897 = vector.broadcast %lt3A_896 : i32 to vector<16xi32>
      %lt3A_898 = arith.cmpi slt, %xor3A_166, %lt3A_897 : vector<16xi32>
      %add3A_899 = arith.constant 16 : i32
      %add3A_900 = vector.broadcast %add3A_899 : i32 to vector<16xi32>
      %add3A_901 = arith.addi %xor3A_166, %add3A_900 : vector<16xi32>
      %select_n3A_902 = arith.select %lt3A_898, %add3A_901, %xor3A_166 : vector<16xi1>, vector<16xi32>
      %broadcast_in_dim3A_903 = vector.shape_cast %select_n3A_902 : vector<16xi32> to vector<16x1xi32>
      %gather3A_904 = vector.shape_cast %broadcast_in_dim3A_903 : vector<16x1xi32> to vector<16xi32>
      %gather3A_905 = tpu.dynamic_gather %add3A_895[%gather3A_904] in [0] : vector<16xf32>, vector<16xi32> -> vector<16xf32>
      %add3A_906 = arith.addf %add3A_895, %gather3A_905 : vector<16xf32>
      %lt3A_907 = arith.constant 0 : i32
      %lt3A_908 = vector.broadcast %lt3A_907 : i32 to vector<16xi32>
      %lt3A_909 = arith.cmpi slt, %xor3A_169, %lt3A_908 : vector<16xi32>
      %add3A_910 = arith.constant 16 : i32
      %add3A_911 = vector.broadcast %add3A_910 : i32 to vector<16xi32>
      %add3A_912 = arith.addi %xor3A_169, %add3A_911 : vector<16xi32>
      %select_n3A_913 = arith.select %lt3A_909, %add3A_912, %xor3A_169 : vector<16xi1>, vector<16xi32>
      %broadcast_in_dim3A_914 = vector.shape_cast %select_n3A_913 : vector<16xi32> to vector<16x1xi32>
      %gather3A_915 = vector.shape_cast %broadcast_in_dim3A_914 : vector<16x1xi32> to vector<16xi32>
      %gather3A_916 = tpu.dynamic_gather %add3A_906[%gather3A_915] in [0] : vector<16xf32>, vector<16xi32> -> vector<16xf32>
      %add3A_917 = arith.addf %add3A_906, %gather3A_916 : vector<16xf32>
      %lt3A_918 = arith.constant 0 : i32
      %lt3A_919 = vector.broadcast %lt3A_918 : i32 to vector<16xi32>
      %lt3A_920 = arith.cmpi slt, %xor3A_172, %lt3A_919 : vector<16xi32>
      %add3A_921 = arith.constant 16 : i32
      %add3A_922 = vector.broadcast %add3A_921 : i32 to vector<16xi32>
      %add3A_923 = arith.addi %xor3A_172, %add3A_922 : vector<16xi32>
      %select_n3A_924 = arith.select %lt3A_920, %add3A_923, %xor3A_172 : vector<16xi1>, vector<16xi32>
      %broadcast_in_dim3A_925 = vector.shape_cast %select_n3A_924 : vector<16xi32> to vector<16x1xi32>
      %gather3A_926 = vector.shape_cast %broadcast_in_dim3A_925 : vector<16x1xi32> to vector<16xi32>
      %gather3A_927 = tpu.dynamic_gather %add3A_917[%gather3A_926] in [0] : vector<16xf32>, vector<16xi32> -> vector<16xf32>
      %add3A_928 = arith.addf %add3A_917, %gather3A_927 : vector<16xf32>
      %lt3A_929 = arith.constant 0 : i32
      %lt3A_930 = vector.broadcast %lt3A_929 : i32 to vector<16xi32>
      %lt3A_931 = arith.cmpi slt, %xor3A_175, %lt3A_930 : vector<16xi32>
      %add3A_932 = arith.constant 16 : i32
      %add3A_933 = vector.broadcast %add3A_932 : i32 to vector<16xi32>
      %add3A_934 = arith.addi %xor3A_175, %add3A_933 : vector<16xi32>
      %select_n3A_935 = arith.select %lt3A_931, %add3A_934, %xor3A_175 : vector<16xi1>, vector<16xi32>
      %broadcast_in_dim3A_936 = vector.shape_cast %select_n3A_935 : vector<16xi32> to vector<16x1xi32>
      %gather3A_937 = vector.shape_cast %broadcast_in_dim3A_936 : vector<16x1xi32> to vector<16xi32>
      %gather3A_938 = tpu.dynamic_gather %add3A_928[%gather3A_937] in [0] : vector<16xf32>, vector<16xi32> -> vector<16xf32>
      %add3A_939 = arith.addf %add3A_928, %gather3A_938 : vector<16xf32>
      %select_n3A_940 = arith.select %eq3A_874, %add3A_939, %select_n3A_871 : vector<16xi1>, vector<16xf32>
      %eq3A_941 = arith.constant 11 : i32
      %eq3A_942 = vector.broadcast %eq3A_941 : i32 to vector<16xi32>
      %eq3A_943 = arith.cmpi eq, %iota3A, %eq3A_942 : vector<16xi32>
      %add3A_944 = arith.constant 11 : i32
      %add3A_945 = arith.addi %mul3A_186, %add3A_944 : i32
      %get3A_946 = arith.index_cast %add3A_945 : i32 to index
      %get3A_947 = arith.constant 0 : index
      %get3A_948 = tpu.vector_load %arg9[%get3A_946, %get3A_947] {strides = array<i32>} : memref<512x32xf32, #tpu.memory_space<vmem>>, vector<1x16xf32>,
      %get3A_949 = vector.shape_cast %get3A_948 : vector<1x16xf32> to vector<16xf32>
      %get3A_950 = arith.index_cast %add3A_945 : i32 to index
      %get3A_951 = arith.constant 16 : index
      %get3A_952 = tpu.vector_load %arg9[%get3A_950, %get3A_951] {strides = array<i32>} : memref<512x32xf32, #tpu.memory_space<vmem>>, vector<1x16xf32>,
      %get3A_953 = vector.shape_cast %get3A_952 : vector<1x16xf32> to vector<16xf32>
      %get3A_954 = arith.index_cast %add3A_945 : i32 to index
      %get3A_955 = arith.constant 0 : index
      %get3A_956 = tpu.vector_load %arg10[%get3A_954, %get3A_955] {strides = array<i32>} : memref<512x32xf32, #tpu.memory_space<vmem>>, vector<1x16xf32>,
      %get3A_957 = vector.shape_cast %get3A_956 : vector<1x16xf32> to vector<16xf32>
      %get3A_958 = arith.index_cast %add3A_945 : i32 to index
      %get3A_959 = arith.constant 16 : index
      %get3A_960 = tpu.vector_load %arg10[%get3A_958, %get3A_959] {strides = array<i32>} : memref<512x32xf32, #tpu.memory_space<vmem>>, vector<1x16xf32>,
      %get3A_961 = vector.shape_cast %get3A_960 : vector<1x16xf32> to vector<16xf32>
      %mul3A_962 = arith.mulf %get3A_949, %get3A_957 : vector<16xf32>
      %mul3A_963 = arith.mulf %get3A_953, %get3A_961 : vector<16xf32>
      %add3A_964 = arith.addf %mul3A_962, %mul3A_963 : vector<16xf32>
      %lt3A_965 = arith.constant 0 : i32
      %lt3A_966 = vector.broadcast %lt3A_965 : i32 to vector<16xi32>
      %lt3A_967 = arith.cmpi slt, %xor3A_166, %lt3A_966 : vector<16xi32>
      %add3A_968 = arith.constant 16 : i32
      %add3A_969 = vector.broadcast %add3A_968 : i32 to vector<16xi32>
      %add3A_970 = arith.addi %xor3A_166, %add3A_969 : vector<16xi32>
      %select_n3A_971 = arith.select %lt3A_967, %add3A_970, %xor3A_166 : vector<16xi1>, vector<16xi32>
      %broadcast_in_dim3A_972 = vector.shape_cast %select_n3A_971 : vector<16xi32> to vector<16x1xi32>
      %gather3A_973 = vector.shape_cast %broadcast_in_dim3A_972 : vector<16x1xi32> to vector<16xi32>
      %gather3A_974 = tpu.dynamic_gather %add3A_964[%gather3A_973] in [0] : vector<16xf32>, vector<16xi32> -> vector<16xf32>
      %add3A_975 = arith.addf %add3A_964, %gather3A_974 : vector<16xf32>
      %lt3A_976 = arith.constant 0 : i32
      %lt3A_977 = vector.broadcast %lt3A_976 : i32 to vector<16xi32>
      %lt3A_978 = arith.cmpi slt, %xor3A_169, %lt3A_977 : vector<16xi32>
      %add3A_979 = arith.constant 16 : i32
      %add3A_980 = vector.broadcast %add3A_979 : i32 to vector<16xi32>
      %add3A_981 = arith.addi %xor3A_169, %add3A_980 : vector<16xi32>
      %select_n3A_982 = arith.select %lt3A_978, %add3A_981, %xor3A_169 : vector<16xi1>, vector<16xi32>
      %broadcast_in_dim3A_983 = vector.shape_cast %select_n3A_982 : vector<16xi32> to vector<16x1xi32>
      %gather3A_984 = vector.shape_cast %broadcast_in_dim3A_983 : vector<16x1xi32> to vector<16xi32>
      %gather3A_985 = tpu.dynamic_gather %add3A_975[%gather3A_984] in [0] : vector<16xf32>, vector<16xi32> -> vector<16xf32>
      %add3A_986 = arith.addf %add3A_975, %gather3A_985 : vector<16xf32>
      %lt3A_987 = arith.constant 0 : i32
      %lt3A_988 = vector.broadcast %lt3A_987 : i32 to vector<16xi32>
      %lt3A_989 = arith.cmpi slt, %xor3A_172, %lt3A_988 : vector<16xi32>
      %add3A_990 = arith.constant 16 : i32
      %add3A_991 = vector.broadcast %add3A_990 : i32 to vector<16xi32>
      %add3A_992 = arith.addi %xor3A_172, %add3A_991 : vector<16xi32>
      %select_n3A_993 = arith.select %lt3A_989, %add3A_992, %xor3A_172 : vector<16xi1>, vector<16xi32>
      %broadcast_in_dim3A_994 = vector.shape_cast %select_n3A_993 : vector<16xi32> to vector<16x1xi32>
      %gather3A_995 = vector.shape_cast %broadcast_in_dim3A_994 : vector<16x1xi32> to vector<16xi32>
      %gather3A_996 = tpu.dynamic_gather %add3A_986[%gather3A_995] in [0] : vector<16xf32>, vector<16xi32> -> vector<16xf32>
      %add3A_997 = arith.addf %add3A_986, %gather3A_996 : vector<16xf32>
      %lt3A_998 = arith.constant 0 : i32
      %lt3A_999 = vector.broadcast %lt3A_998 : i32 to vector<16xi32>
      %lt3A_1000 = arith.cmpi slt, %xor3A_175, %lt3A_999 : vector<16xi32>
      %add3A_1001 = arith.constant 16 : i32
      %add3A_1002 = vector.broadcast %add3A_1001 : i32 to vector<16xi32>
      %add3A_1003 = arith.addi %xor3A_175, %add3A_1002 : vector<16xi32>
      %select_n3A_1004 = arith.select %lt3A_1000, %add3A_1003, %xor3A_175 : vector<16xi1>, vector<16xi32>
      %broadcast_in_dim3A_1005 = vector.shape_cast %select_n3A_1004 : vector<16xi32> to vector<16x1xi32>
      %gather3A_1006 = vector.shape_cast %broadcast_in_dim3A_1005 : vector<16x1xi32> to vector<16xi32>
      %gather3A_1007 = tpu.dynamic_gather %add3A_997[%gather3A_1006] in [0] : vector<16xf32>, vector<16xi32> -> vector<16xf32>
      %add3A_1008 = arith.addf %add3A_997, %gather3A_1007 : vector<16xf32>
      %select_n3A_1009 = arith.select %eq3A_943, %add3A_1008, %select_n3A_940 : vector<16xi1>, vector<16xf32>
      %eq3A_1010 = arith.constant 12 : i32
      %eq3A_1011 = vector.broadcast %eq3A_1010 : i32 to vector<16xi32>
      %eq3A_1012 = arith.cmpi eq, %iota3A, %eq3A_1011 : vector<16xi32>
      %add3A_1013 = arith.constant 12 : i32
      %add3A_1014 = arith.addi %mul3A_186, %add3A_1013 : i32
      %get3A_1015 = arith.index_cast %add3A_1014 : i32 to index
      %get3A_1016 = arith.constant 0 : index
      %get3A_1017 = tpu.vector_load %arg9[%get3A_1015, %get3A_1016] {strides = array<i32>} : memref<512x32xf32, #tpu.memory_space<vmem>>, vector<1x16xf32>,
      %get3A_1018 = vector.shape_cast %get3A_1017 : vector<1x16xf32> to vector<16xf32>
      %get3A_1019 = arith.index_cast %add3A_1014 : i32 to index
      %get3A_1020 = arith.constant 16 : index
      %get3A_1021 = tpu.vector_load %arg9[%get3A_1019, %get3A_1020] {strides = array<i32>} : memref<512x32xf32, #tpu.memory_space<vmem>>, vector<1x16xf32>,
      %get3A_1022 = vector.shape_cast %get3A_1021 : vector<1x16xf32> to vector<16xf32>
      %get3A_1023 = arith.index_cast %add3A_1014 : i32 to index
      %get3A_1024 = arith.constant 0 : index
      %get3A_1025 = tpu.vector_load %arg10[%get3A_1023, %get3A_1024] {strides = array<i32>} : memref<512x32xf32, #tpu.memory_space<vmem>>, vector<1x16xf32>,
      %get3A_1026 = vector.shape_cast %get3A_1025 : vector<1x16xf32> to vector<16xf32>
      %get3A_1027 = arith.index_cast %add3A_1014 : i32 to index
      %get3A_1028 = arith.constant 16 : index
      %get3A_1029 = tpu.vector_load %arg10[%get3A_1027, %get3A_1028] {strides = array<i32>} : memref<512x32xf32, #tpu.memory_space<vmem>>, vector<1x16xf32>,
      %get3A_1030 = vector.shape_cast %get3A_1029 : vector<1x16xf32> to vector<16xf32>
      %mul3A_1031 = arith.mulf %get3A_1018, %get3A_1026 : vector<16xf32>
      %mul3A_1032 = arith.mulf %get3A_1022, %get3A_1030 : vector<16xf32>
      %add3A_1033 = arith.addf %mul3A_1031, %mul3A_1032 : vector<16xf32>
      %lt3A_1034 = arith.constant 0 : i32
      %lt3A_1035 = vector.broadcast %lt3A_1034 : i32 to vector<16xi32>
      %lt3A_1036 = arith.cmpi slt, %xor3A_166, %lt3A_1035 : vector<16xi32>
      %add3A_1037 = arith.constant 16 : i32
      %add3A_1038 = vector.broadcast %add3A_1037 : i32 to vector<16xi32>
      %add3A_1039 = arith.addi %xor3A_166, %add3A_1038 : vector<16xi32>
      %select_n3A_1040 = arith.select %lt3A_1036, %add3A_1039, %xor3A_166 : vector<16xi1>, vector<16xi32>
      %broadcast_in_dim3A_1041 = vector.shape_cast %select_n3A_1040 : vector<16xi32> to vector<16x1xi32>
      %gather3A_1042 = vector.shape_cast %broadcast_in_dim3A_1041 : vector<16x1xi32> to vector<16xi32>
      %gather3A_1043 = tpu.dynamic_gather %add3A_1033[%gather3A_1042] in [0] : vector<16xf32>, vector<16xi32> -> vector<16xf32>
      %add3A_1044 = arith.addf %add3A_1033, %gather3A_1043 : vector<16xf32>
      %lt3A_1045 = arith.constant 0 : i32
      %lt3A_1046 = vector.broadcast %lt3A_1045 : i32 to vector<16xi32>
      %lt3A_1047 = arith.cmpi slt, %xor3A_169, %lt3A_1046 : vector<16xi32>
      %add3A_1048 = arith.constant 16 : i32
      %add3A_1049 = vector.broadcast %add3A_1048 : i32 to vector<16xi32>
      %add3A_1050 = arith.addi %xor3A_169, %add3A_1049 : vector<16xi32>
      %select_n3A_1051 = arith.select %lt3A_1047, %add3A_1050, %xor3A_169 : vector<16xi1>, vector<16xi32>
      %broadcast_in_dim3A_1052 = vector.shape_cast %select_n3A_1051 : vector<16xi32> to vector<16x1xi32>
      %gather3A_1053 = vector.shape_cast %broadcast_in_dim3A_1052 : vector<16x1xi32> to vector<16xi32>
      %gather3A_1054 = tpu.dynamic_gather %add3A_1044[%gather3A_1053] in [0] : vector<16xf32>, vector<16xi32> -> vector<16xf32>
      %add3A_1055 = arith.addf %add3A_1044, %gather3A_1054 : vector<16xf32>
      %lt3A_1056 = arith.constant 0 : i32
      %lt3A_1057 = vector.broadcast %lt3A_1056 : i32 to vector<16xi32>
      %lt3A_1058 = arith.cmpi slt, %xor3A_172, %lt3A_1057 : vector<16xi32>
      %add3A_1059 = arith.constant 16 : i32
      %add3A_1060 = vector.broadcast %add3A_1059 : i32 to vector<16xi32>
      %add3A_1061 = arith.addi %xor3A_172, %add3A_1060 : vector<16xi32>
      %select_n3A_1062 = arith.select %lt3A_1058, %add3A_1061, %xor3A_172 : vector<16xi1>, vector<16xi32>
      %broadcast_in_dim3A_1063 = vector.shape_cast %select_n3A_1062 : vector<16xi32> to vector<16x1xi32>
      %gather3A_1064 = vector.shape_cast %broadcast_in_dim3A_1063 : vector<16x1xi32> to vector<16xi32>
      %gather3A_1065 = tpu.dynamic_gather %add3A_1055[%gather3A_1064] in [0] : vector<16xf32>, vector<16xi32> -> vector<16xf32>
      %add3A_1066 = arith.addf %add3A_1055, %gather3A_1065 : vector<16xf32>
      %lt3A_1067 = arith.constant 0 : i32
      %lt3A_1068 = vector.broadcast %lt3A_1067 : i32 to vector<16xi32>
      %lt3A_1069 = arith.cmpi slt, %xor3A_175, %lt3A_1068 : vector<16xi32>
      %add3A_1070 = arith.constant 16 : i32
      %add3A_1071 = vector.broadcast %add3A_1070 : i32 to vector<16xi32>
      %add3A_1072 = arith.addi %xor3A_175, %add3A_1071 : vector<16xi32>
      %select_n3A_1073 = arith.select %lt3A_1069, %add3A_1072, %xor3A_175 : vector<16xi1>, vector<16xi32>
      %broadcast_in_dim3A_1074 = vector.shape_cast %select_n3A_1073 : vector<16xi32> to vector<16x1xi32>
      %gather3A_1075 = vector.shape_cast %broadcast_in_dim3A_1074 : vector<16x1xi32> to vector<16xi32>
      %gather3A_1076 = tpu.dynamic_gather %add3A_1066[%gather3A_1075] in [0] : vector<16xf32>, vector<16xi32> -> vector<16xf32>
      %add3A_1077 = arith.addf %add3A_1066, %gather3A_1076 : vector<16xf32>
      %select_n3A_1078 = arith.select %eq3A_1012, %add3A_1077, %select_n3A_1009 : vector<16xi1>, vector<16xf32>
      %eq3A_1079 = arith.constant 13 : i32
      %eq3A_1080 = vector.broadcast %eq3A_1079 : i32 to vector<16xi32>
      %eq3A_1081 = arith.cmpi eq, %iota3A, %eq3A_1080 : vector<16xi32>
      %add3A_1082 = arith.constant 13 : i32
      %add3A_1083 = arith.addi %mul3A_186, %add3A_1082 : i32
      %get3A_1084 = arith.index_cast %add3A_1083 : i32 to index
      %get3A_1085 = arith.constant 0 : index
      %get3A_1086 = tpu.vector_load %arg9[%get3A_1084, %get3A_1085] {strides = array<i32>} : memref<512x32xf32, #tpu.memory_space<vmem>>, vector<1x16xf32>,
      %get3A_1087 = vector.shape_cast %get3A_1086 : vector<1x16xf32> to vector<16xf32>
      %get3A_1088 = arith.index_cast %add3A_1083 : i32 to index
      %get3A_1089 = arith.constant 16 : index
      %get3A_1090 = tpu.vector_load %arg9[%get3A_1088, %get3A_1089] {strides = array<i32>} : memref<512x32xf32, #tpu.memory_space<vmem>>, vector<1x16xf32>,
      %get3A_1091 = vector.shape_cast %get3A_1090 : vector<1x16xf32> to vector<16xf32>
      %get3A_1092 = arith.index_cast %add3A_1083 : i32 to index
      %get3A_1093 = arith.constant 0 : index
      %get3A_1094 = tpu.vector_load %arg10[%get3A_1092, %get3A_1093] {strides = array<i32>} : memref<512x32xf32, #tpu.memory_space<vmem>>, vector<1x16xf32>,
      %get3A_1095 = vector.shape_cast %get3A_1094 : vector<1x16xf32> to vector<16xf32>
      %get3A_1096 = arith.index_cast %add3A_1083 : i32 to index
      %get3A_1097 = arith.constant 16 : index
      %get3A_1098 = tpu.vector_load %arg10[%get3A_1096, %get3A_1097] {strides = array<i32>} : memref<512x32xf32, #tpu.memory_space<vmem>>, vector<1x16xf32>,
      %get3A_1099 = vector.shape_cast %get3A_1098 : vector<1x16xf32> to vector<16xf32>
      %mul3A_1100 = arith.mulf %get3A_1087, %get3A_1095 : vector<16xf32>
      %mul3A_1101 = arith.mulf %get3A_1091, %get3A_1099 : vector<16xf32>
      %add3A_1102 = arith.addf %mul3A_1100, %mul3A_1101 : vector<16xf32>
      %lt3A_1103 = arith.constant 0 : i32
      %lt3A_1104 = vector.broadcast %lt3A_1103 : i32 to vector<16xi32>
      %lt3A_1105 = arith.cmpi slt, %xor3A_166, %lt3A_1104 : vector<16xi32>
      %add3A_1106 = arith.constant 16 : i32
      %add3A_1107 = vector.broadcast %add3A_1106 : i32 to vector<16xi32>
      %add3A_1108 = arith.addi %xor3A_166, %add3A_1107 : vector<16xi32>
      %select_n3A_1109 = arith.select %lt3A_1105, %add3A_1108, %xor3A_166 : vector<16xi1>, vector<16xi32>
      %broadcast_in_dim3A_1110 = vector.shape_cast %select_n3A_1109 : vector<16xi32> to vector<16x1xi32>
      %gather3A_1111 = vector.shape_cast %broadcast_in_dim3A_1110 : vector<16x1xi32> to vector<16xi32>
      %gather3A_1112 = tpu.dynamic_gather %add3A_1102[%gather3A_1111] in [0] : vector<16xf32>, vector<16xi32> -> vector<16xf32>
      %add3A_1113 = arith.addf %add3A_1102, %gather3A_1112 : vector<16xf32>
      %lt3A_1114 = arith.constant 0 : i32
      %lt3A_1115 = vector.broadcast %lt3A_1114 : i32 to vector<16xi32>
      %lt3A_1116 = arith.cmpi slt, %xor3A_169, %lt3A_1115 : vector<16xi32>
      %add3A_1117 = arith.constant 16 : i32
      %add3A_1118 = vector.broadcast %add3A_1117 : i32 to vector<16xi32>
      %add3A_1119 = arith.addi %xor3A_169, %add3A_1118 : vector<16xi32>
      %select_n3A_1120 = arith.select %lt3A_1116, %add3A_1119, %xor3A_169 : vector<16xi1>, vector<16xi32>
      %broadcast_in_dim3A_1121 = vector.shape_cast %select_n3A_1120 : vector<16xi32> to vector<16x1xi32>
      %gather3A_1122 = vector.shape_cast %broadcast_in_dim3A_1121 : vector<16x1xi32> to vector<16xi32>
      %gather3A_1123 = tpu.dynamic_gather %add3A_1113[%gather3A_1122] in [0] : vector<16xf32>, vector<16xi32> -> vector<16xf32>
      %add3A_1124 = arith.addf %add3A_1113, %gather3A_1123 : vector<16xf32>
      %lt3A_1125 = arith.constant 0 : i32
      %lt3A_1126 = vector.broadcast %lt3A_1125 : i32 to vector<16xi32>
      %lt3A_1127 = arith.cmpi slt, %xor3A_172, %lt3A_1126 : vector<16xi32>
      %add3A_1128 = arith.constant 16 : i32
      %add3A_1129 = vector.broadcast %add3A_1128 : i32 to vector<16xi32>
      %add3A_1130 = arith.addi %xor3A_172, %add3A_1129 : vector<16xi32>
      %select_n3A_1131 = arith.select %lt3A_1127, %add3A_1130, %xor3A_172 : vector<16xi1>, vector<16xi32>
      %broadcast_in_dim3A_1132 = vector.shape_cast %select_n3A_1131 : vector<16xi32> to vector<16x1xi32>
      %gather3A_1133 = vector.shape_cast %broadcast_in_dim3A_1132 : vector<16x1xi32> to vector<16xi32>
      %gather3A_1134 = tpu.dynamic_gather %add3A_1124[%gather3A_1133] in [0] : vector<16xf32>, vector<16xi32> -> vector<16xf32>
      %add3A_1135 = arith.addf %add3A_1124, %gather3A_1134 : vector<16xf32>
      %lt3A_1136 = arith.constant 0 : i32
      %lt3A_1137 = vector.broadcast %lt3A_1136 : i32 to vector<16xi32>
      %lt3A_1138 = arith.cmpi slt, %xor3A_175, %lt3A_1137 : vector<16xi32>
      %add3A_1139 = arith.constant 16 : i32
      %add3A_1140 = vector.broadcast %add3A_1139 : i32 to vector<16xi32>
      %add3A_1141 = arith.addi %xor3A_175, %add3A_1140 : vector<16xi32>
      %select_n3A_1142 = arith.select %lt3A_1138, %add3A_1141, %xor3A_175 : vector<16xi1>, vector<16xi32>
      %broadcast_in_dim3A_1143 = vector.shape_cast %select_n3A_1142 : vector<16xi32> to vector<16x1xi32>
      %gather3A_1144 = vector.shape_cast %broadcast_in_dim3A_1143 : vector<16x1xi32> to vector<16xi32>
      %gather3A_1145 = tpu.dynamic_gather %add3A_1135[%gather3A_1144] in [0] : vector<16xf32>, vector<16xi32> -> vector<16xf32>
      %add3A_1146 = arith.addf %add3A_1135, %gather3A_1145 : vector<16xf32>
      %select_n3A_1147 = arith.select %eq3A_1081, %add3A_1146, %select_n3A_1078 : vector<16xi1>, vector<16xf32>
      %eq3A_1148 = arith.constant 14 : i32
      %eq3A_1149 = vector.broadcast %eq3A_1148 : i32 to vector<16xi32>
      %eq3A_1150 = arith.cmpi eq, %iota3A, %eq3A_1149 : vector<16xi32>
      %add3A_1151 = arith.constant 14 : i32
      %add3A_1152 = arith.addi %mul3A_186, %add3A_1151 : i32
      %get3A_1153 = arith.index_cast %add3A_1152 : i32 to index
      %get3A_1154 = arith.constant 0 : index
      %get3A_1155 = tpu.vector_load %arg9[%get3A_1153, %get3A_1154] {strides = array<i32>} : memref<512x32xf32, #tpu.memory_space<vmem>>, vector<1x16xf32>,
      %get3A_1156 = vector.shape_cast %get3A_1155 : vector<1x16xf32> to vector<16xf32>
      %get3A_1157 = arith.index_cast %add3A_1152 : i32 to index
      %get3A_1158 = arith.constant 16 : index
      %get3A_1159 = tpu.vector_load %arg9[%get3A_1157, %get3A_1158] {strides = array<i32>} : memref<512x32xf32, #tpu.memory_space<vmem>>, vector<1x16xf32>,
      %get3A_1160 = vector.shape_cast %get3A_1159 : vector<1x16xf32> to vector<16xf32>
      %get3A_1161 = arith.index_cast %add3A_1152 : i32 to index
      %get3A_1162 = arith.constant 0 : index
      %get3A_1163 = tpu.vector_load %arg10[%get3A_1161, %get3A_1162] {strides = array<i32>} : memref<512x32xf32, #tpu.memory_space<vmem>>, vector<1x16xf32>,
      %get3A_1164 = vector.shape_cast %get3A_1163 : vector<1x16xf32> to vector<16xf32>
      %get3A_1165 = arith.index_cast %add3A_1152 : i32 to index
      %get3A_1166 = arith.constant 16 : index
      %get3A_1167 = tpu.vector_load %arg10[%get3A_1165, %get3A_1166] {strides = array<i32>} : memref<512x32xf32, #tpu.memory_space<vmem>>, vector<1x16xf32>,
      %get3A_1168 = vector.shape_cast %get3A_1167 : vector<1x16xf32> to vector<16xf32>
      %mul3A_1169 = arith.mulf %get3A_1156, %get3A_1164 : vector<16xf32>
      %mul3A_1170 = arith.mulf %get3A_1160, %get3A_1168 : vector<16xf32>
      %add3A_1171 = arith.addf %mul3A_1169, %mul3A_1170 : vector<16xf32>
      %lt3A_1172 = arith.constant 0 : i32
      %lt3A_1173 = vector.broadcast %lt3A_1172 : i32 to vector<16xi32>
      %lt3A_1174 = arith.cmpi slt, %xor3A_166, %lt3A_1173 : vector<16xi32>
      %add3A_1175 = arith.constant 16 : i32
      %add3A_1176 = vector.broadcast %add3A_1175 : i32 to vector<16xi32>
      %add3A_1177 = arith.addi %xor3A_166, %add3A_1176 : vector<16xi32>
      %select_n3A_1178 = arith.select %lt3A_1174, %add3A_1177, %xor3A_166 : vector<16xi1>, vector<16xi32>
      %broadcast_in_dim3A_1179 = vector.shape_cast %select_n3A_1178 : vector<16xi32> to vector<16x1xi32>
      %gather3A_1180 = vector.shape_cast %broadcast_in_dim3A_1179 : vector<16x1xi32> to vector<16xi32>
      %gather3A_1181 = tpu.dynamic_gather %add3A_1171[%gather3A_1180] in [0] : vector<16xf32>, vector<16xi32> -> vector<16xf32>
      %add3A_1182 = arith.addf %add3A_1171, %gather3A_1181 : vector<16xf32>
      %lt3A_1183 = arith.constant 0 : i32
      %lt3A_1184 = vector.broadcast %lt3A_1183 : i32 to vector<16xi32>
      %lt3A_1185 = arith.cmpi slt, %xor3A_169, %lt3A_1184 : vector<16xi32>
      %add3A_1186 = arith.constant 16 : i32
      %add3A_1187 = vector.broadcast %add3A_1186 : i32 to vector<16xi32>
      %add3A_1188 = arith.addi %xor3A_169, %add3A_1187 : vector<16xi32>
      %select_n3A_1189 = arith.select %lt3A_1185, %add3A_1188, %xor3A_169 : vector<16xi1>, vector<16xi32>
      %broadcast_in_dim3A_1190 = vector.shape_cast %select_n3A_1189 : vector<16xi32> to vector<16x1xi32>
      %gather3A_1191 = vector.shape_cast %broadcast_in_dim3A_1190 : vector<16x1xi32> to vector<16xi32>
      %gather3A_1192 = tpu.dynamic_gather %add3A_1182[%gather3A_1191] in [0] : vector<16xf32>, vector<16xi32> -> vector<16xf32>
      %add3A_1193 = arith.addf %add3A_1182, %gather3A_1192 : vector<16xf32>
      %lt3A_1194 = arith.constant 0 : i32
      %lt3A_1195 = vector.broadcast %lt3A_1194 : i32 to vector<16xi32>
      %lt3A_1196 = arith.cmpi slt, %xor3A_172, %lt3A_1195 : vector<16xi32>
      %add3A_1197 = arith.constant 16 : i32
      %add3A_1198 = vector.broadcast %add3A_1197 : i32 to vector<16xi32>
      %add3A_1199 = arith.addi %xor3A_172, %add3A_1198 : vector<16xi32>
      %select_n3A_1200 = arith.select %lt3A_1196, %add3A_1199, %xor3A_172 : vector<16xi1>, vector<16xi32>
      %broadcast_in_dim3A_1201 = vector.shape_cast %select_n3A_1200 : vector<16xi32> to vector<16x1xi32>
      %gather3A_1202 = vector.shape_cast %broadcast_in_dim3A_1201 : vector<16x1xi32> to vector<16xi32>
      %gather3A_1203 = tpu.dynamic_gather %add3A_1193[%gather3A_1202] in [0] : vector<16xf32>, vector<16xi32> -> vector<16xf32>
      %add3A_1204 = arith.addf %add3A_1193, %gather3A_1203 : vector<16xf32>
      %lt3A_1205 = arith.constant 0 : i32
      %lt3A_1206 = vector.broadcast %lt3A_1205 : i32 to vector<16xi32>
      %lt3A_1207 = arith.cmpi slt, %xor3A_175, %lt3A_1206 : vector<16xi32>
      %add3A_1208 = arith.constant 16 : i32
      %add3A_1209 = vector.broadcast %add3A_1208 : i32 to vector<16xi32>
      %add3A_1210 = arith.addi %xor3A_175, %add3A_1209 : vector<16xi32>
      %select_n3A_1211 = arith.select %lt3A_1207, %add3A_1210, %xor3A_175 : vector<16xi1>, vector<16xi32>
      %broadcast_in_dim3A_1212 = vector.shape_cast %select_n3A_1211 : vector<16xi32> to vector<16x1xi32>
      %gather3A_1213 = vector.shape_cast %broadcast_in_dim3A_1212 : vector<16x1xi32> to vector<16xi32>
      %gather3A_1214 = tpu.dynamic_gather %add3A_1204[%gather3A_1213] in [0] : vector<16xf32>, vector<16xi32> -> vector<16xf32>
      %add3A_1215 = arith.addf %add3A_1204, %gather3A_1214 : vector<16xf32>
      %select_n3A_1216 = arith.select %eq3A_1150, %add3A_1215, %select_n3A_1147 : vector<16xi1>, vector<16xf32>
      %eq3A_1217 = arith.constant 15 : i32
      %eq3A_1218 = vector.broadcast %eq3A_1217 : i32 to vector<16xi32>
      %eq3A_1219 = arith.cmpi eq, %iota3A, %eq3A_1218 : vector<16xi32>
      %add3A_1220 = arith.constant 15 : i32
      %add3A_1221 = arith.addi %mul3A_186, %add3A_1220 : i32
      %get3A_1222 = arith.index_cast %add3A_1221 : i32 to index
      %get3A_1223 = arith.constant 0 : index
      %get3A_1224 = tpu.vector_load %arg9[%get3A_1222, %get3A_1223] {strides = array<i32>} : memref<512x32xf32, #tpu.memory_space<vmem>>, vector<1x16xf32>,
      %get3A_1225 = vector.shape_cast %get3A_1224 : vector<1x16xf32> to vector<16xf32>
      %get3A_1226 = arith.index_cast %add3A_1221 : i32 to index
      %get3A_1227 = arith.constant 16 : index
      %get3A_1228 = tpu.vector_load %arg9[%get3A_1226, %get3A_1227] {strides = array<i32>} : memref<512x32xf32, #tpu.memory_space<vmem>>, vector<1x16xf32>,
      %get3A_1229 = vector.shape_cast %get3A_1228 : vector<1x16xf32> to vector<16xf32>
      %get3A_1230 = arith.index_cast %add3A_1221 : i32 to index
      %get3A_1231 = arith.constant 0 : index
      %get3A_1232 = tpu.vector_load %arg10[%get3A_1230, %get3A_1231] {strides = array<i32>} : memref<512x32xf32, #tpu.memory_space<vmem>>, vector<1x16xf32>,
      %get3A_1233 = vector.shape_cast %get3A_1232 : vector<1x16xf32> to vector<16xf32>
      %get3A_1234 = arith.index_cast %add3A_1221 : i32 to index
      %get3A_1235 = arith.constant 16 : index
      %get3A_1236 = tpu.vector_load %arg10[%get3A_1234, %get3A_1235] {strides = array<i32>} : memref<512x32xf32, #tpu.memory_space<vmem>>, vector<1x16xf32>,
      %get3A_1237 = vector.shape_cast %get3A_1236 : vector<1x16xf32> to vector<16xf32>
      %mul3A_1238 = arith.mulf %get3A_1225, %get3A_1233 : vector<16xf32>
      %mul3A_1239 = arith.mulf %get3A_1229, %get3A_1237 : vector<16xf32>
      %add3A_1240 = arith.addf %mul3A_1238, %mul3A_1239 : vector<16xf32>
      %lt3A_1241 = arith.constant 0 : i32
      %lt3A_1242 = vector.broadcast %lt3A_1241 : i32 to vector<16xi32>
      %lt3A_1243 = arith.cmpi slt, %xor3A_166, %lt3A_1242 : vector<16xi32>
      %add3A_1244 = arith.constant 16 : i32
      %add3A_1245 = vector.broadcast %add3A_1244 : i32 to vector<16xi32>
      %add3A_1246 = arith.addi %xor3A_166, %add3A_1245 : vector<16xi32>
      %select_n3A_1247 = arith.select %lt3A_1243, %add3A_1246, %xor3A_166 : vector<16xi1>, vector<16xi32>
      %broadcast_in_dim3A_1248 = vector.shape_cast %select_n3A_1247 : vector<16xi32> to vector<16x1xi32>
      %gather3A_1249 = vector.shape_cast %broadcast_in_dim3A_1248 : vector<16x1xi32> to vector<16xi32>
      %gather3A_1250 = tpu.dynamic_gather %add3A_1240[%gather3A_1249] in [0] : vector<16xf32>, vector<16xi32> -> vector<16xf32>
      %add3A_1251 = arith.addf %add3A_1240, %gather3A_1250 : vector<16xf32>
      %lt3A_1252 = arith.constant 0 : i32
      %lt3A_1253 = vector.broadcast %lt3A_1252 : i32 to vector<16xi32>
      %lt3A_1254 = arith.cmpi slt, %xor3A_169, %lt3A_1253 : vector<16xi32>
      %add3A_1255 = arith.constant 16 : i32
      %add3A_1256 = vector.broadcast %add3A_1255 : i32 to vector<16xi32>
      %add3A_1257 = arith.addi %xor3A_169, %add3A_1256 : vector<16xi32>
      %select_n3A_1258 = arith.select %lt3A_1254, %add3A_1257, %xor3A_169 : vector<16xi1>, vector<16xi32>
      %broadcast_in_dim3A_1259 = vector.shape_cast %select_n3A_1258 : vector<16xi32> to vector<16x1xi32>
      %gather3A_1260 = vector.shape_cast %broadcast_in_dim3A_1259 : vector<16x1xi32> to vector<16xi32>
      %gather3A_1261 = tpu.dynamic_gather %add3A_1251[%gather3A_1260] in [0] : vector<16xf32>, vector<16xi32> -> vector<16xf32>
      %add3A_1262 = arith.addf %add3A_1251, %gather3A_1261 : vector<16xf32>
      %lt3A_1263 = arith.constant 0 : i32
      %lt3A_1264 = vector.broadcast %lt3A_1263 : i32 to vector<16xi32>
      %lt3A_1265 = arith.cmpi slt, %xor3A_172, %lt3A_1264 : vector<16xi32>
      %add3A_1266 = arith.constant 16 : i32
      %add3A_1267 = vector.broadcast %add3A_1266 : i32 to vector<16xi32>
      %add3A_1268 = arith.addi %xor3A_172, %add3A_1267 : vector<16xi32>
      %select_n3A_1269 = arith.select %lt3A_1265, %add3A_1268, %xor3A_172 : vector<16xi1>, vector<16xi32>
      %broadcast_in_dim3A_1270 = vector.shape_cast %select_n3A_1269 : vector<16xi32> to vector<16x1xi32>
      %gather3A_1271 = vector.shape_cast %broadcast_in_dim3A_1270 : vector<16x1xi32> to vector<16xi32>
      %gather3A_1272 = tpu.dynamic_gather %add3A_1262[%gather3A_1271] in [0] : vector<16xf32>, vector<16xi32> -> vector<16xf32>
      %add3A_1273 = arith.addf %add3A_1262, %gather3A_1272 : vector<16xf32>
      %lt3A_1274 = arith.constant 0 : i32
      %lt3A_1275 = vector.broadcast %lt3A_1274 : i32 to vector<16xi32>
      %lt3A_1276 = arith.cmpi slt, %xor3A_175, %lt3A_1275 : vector<16xi32>
      %add3A_1277 = arith.constant 16 : i32
      %add3A_1278 = vector.broadcast %add3A_1277 : i32 to vector<16xi32>
      %add3A_1279 = arith.addi %xor3A_175, %add3A_1278 : vector<16xi32>
      %select_n3A_1280 = arith.select %lt3A_1276, %add3A_1279, %xor3A_175 : vector<16xi1>, vector<16xi32>
      %broadcast_in_dim3A_1281 = vector.shape_cast %select_n3A_1280 : vector<16xi32> to vector<16x1xi32>
      %gather3A_1282 = vector.shape_cast %broadcast_in_dim3A_1281 : vector<16x1xi32> to vector<16xi32>
      %gather3A_1283 = tpu.dynamic_gather %add3A_1273[%gather3A_1282] in [0] : vector<16xf32>, vector<16xi32> -> vector<16xf32>
      %add3A_1284 = arith.addf %add3A_1273, %gather3A_1283 : vector<16xf32>
      %select_n3A_1285 = arith.select %eq3A_1219, %add3A_1284, %select_n3A_1216 : vector<16xi1>, vector<16xf32>
      %swap3A = arith.index_cast %mul3A_186 : i32 to index
      %swap3A_1286 = tpu.vector_load %arg11[%swap3A] {strides = array<i32>} : memref<512xf32, #tpu.memory_space<vmem>>, vector<16xf32>,
      %swap3A_1287 = vector.shape_cast %swap3A_1286 : vector<16xf32> to vector<16xf32>
      %swap3A_1288 = vector.shape_cast %select_n3A_1285 : vector<16xf32> to vector<16xf32>
      tpu.vector_store %arg11[%swap3A], %swap3A_1288 {strides = array<i32>} : memref<512xf32, #tpu.memory_space<vmem>>, vector<16xf32>,
      %scan3A_1289 = arith.constant 0 : i32
      scf.yield %scan3A_1289 : i32
    }
    %scan3A_181 = arith.constant 32 : i32
    "tpu.region"() ({
      %run_scoped3A = tpu.sem_alloc : memref<!tpu.dma_semaphore, #tpu.memory_space<semaphore_mem>>
      %dma_start3A_182 = tpu.memref_slice %arg6[%mul3A_2] : memref<16384xf32, #tpu.memory_space<hbm>> -> memref<512xf32, #tpu.memory_space<hbm>>
      %dma_start3A_183 = tpu.memref_slice %arg6[%mul3A_2] : memref<16384xf32, #tpu.memory_space<hbm>> -> memref<512xf32, #tpu.memory_space<hbm>>
      tpu.enqueue_dma source(%arg11 : memref<512xf32, #tpu.memory_space<vmem>>) target(%dma_start3A_183 : memref<512xf32, #tpu.memory_space<hbm>>) target_semaphore(%run_scoped3A : memref<!tpu.dma_semaphore, #tpu.memory_space<semaphore_mem>>)
      %dma_wait3A_184 = tpu.memref_slice %arg6[%mul3A_2] : memref<16384xf32, #tpu.memory_space<hbm>> -> memref<512xf32, #tpu.memory_space<hbm>>
      %dma_wait3A_185 = tpu.memref_slice %arg6[%mul3A_2] : memref<16384xf32, #tpu.memory_space<hbm>> -> memref<512xf32, #tpu.memory_space<hbm>>
      tpu.wait_dma2 semaphore(%run_scoped3A : memref<!tpu.dma_semaphore, #tpu.memory_space<semaphore_mem>>) src(%arg11 : memref<512xf32, #tpu.memory_space<vmem>>) dst(%dma_wait3A_185 : memref<512xf32, #tpu.memory_space<hbm>>)
      tpu.yield
    }) : () -> ()
    return
  }
}

</mosaic_0001>

<sc_bundles>
// kernel: kernel.3.cloned.1.call-start
scs
__scs_entry_jumppad:
0x0: {  	(pc) =	sbr.rel $0x88, $3  }
0x1: {  	(tag) =	ssettag $0x0;
	lr =	simm.s32 $0x1  }
0x2: {  	[smem:$0x3F9D] =	sst lr;
	_ =	strace $0xD0000000  }
0x3: {  	_ = 	snop  }
0x4: {  	_ = 	snop  }
0x5: {  	_ = 	snop  }
0x6: {  	_ = 	snop  }
0x7: {  	_ = 	snop  }
__scs_overlays_trampoline_lowered:
0x8: {  	[smem:$0x3FAC] =	sst s0  }
0x9: {  	[smem:$0x3FAD] =	sst s1  }
0xa: {  	[smem:$0x3FAE] =	sst s2  }
0xb: {  	[smem:$0x3FAF] =	sst s3  }
0xc: {  	[smem:$0x3FB0] =	sst s4  }
0xd: {  	[smem:$0x3FB1] =	sst s5  }
0xe: {  	[smem:$0x3FB2] =	sst s6  }
0xf: {  	[smem:$0x3FB3] =	sst s7  }
0x10: {  	[smem:$0x3FB4] =	sst s8  }
0x11: {  	[smem:$0x3FB5] =	sst s9;
	s0 =	simm.s32 @!p0 $0x0  }
0x12: {  	s1 =	sld [smem:$0x3F9B];
	s0 =	simm.s32 @p0 $0x1  }
0x13: {  	[smem:$0x3FB6] =	sst s0;
	s0 =	simm.s32 @!p1 $0x0  }
0x14: {  	s2 =	sld [smem:$0x3F9A];
	s0 =	simm.s32 @p1 $0x1  }
0x15: {  	[smem:$0x3FB7] =	sst s0;
	s0 =	simm.s32 @!p2 $0x0  }
0x16: {  	s3 =	sld [smem:$0x3FDB];
	s0 =	simm.s32 @p2 $0x1  }
0x17: {  	s4 =	simm.s32 $0x1BF5;
	[smem:$0x3FB9] =	sst s0  }
0x18: {  	s0 =	sld [smem:$0x3F9C];
	_ =	swait.ge [sflag:s4], $0x0  }
0x19: {  	s7 =	sld [smem:$0x3F9D]  }
0x1a: {  	s8 =	sadd.s32 $0xFFFFE003, lr  }
0x1b: {  	s9 =	sadd.s32 $0xFFFFFEF7, lr;
	s5 =	simm.s32 $0xFFFFFFFF;
	p2 =	slt.u32 s8, $0xFFFFF086  }
0x1c: {  	p1 =	slt.u32 s9, $0xF7A;
	s5 =	simm.s32 @!p2 $0x0  }
0x1d: {  	s5 =	simm.s32 @p1 $0x1;
	p0 =	seq.s32 s7, s2  }
0x1e: {  	s7 =	smul.u32 @!p0 $0xF7A, s2;
	p2 =	seq.s32 @!p0 s5, $0x0  }
0x1f: {  	s9 =	smul.u32 $0xF7A, s1;
	s8 =	simm.s32 @!p0 $0x1BF5;
	p2 =	por !p2, p0  }
0x20: {  	[sflag:s8] =	ssyncset.s32 @!p0 $0xFFFFF086;
	s6 =	sadd.s32 @!p0 s3, s7;
	s7 =	simm.s32 @!p0 $0x108  }
0x21: {  	s3 =	sadd.s32 s3, s9;
	s6 =	sadd.s32 @!p0 $0x88, s6;
	s7 =	simm.s32 @p2 $0x1082  }
0x22: {  	[simem:s7], [sflag:s8] =	dma.local @!p0 [hbm:s6], $0xF7A  }
0x23: {  	s9 =	sor.u32 $0xD0000000, s2;
	s6 =	simm.s32 $0x108;
	_ =	swait.ge @!p0 [sflag:s8], $0x0  }
0x24: {  	s3 =	sadd.s32 $0x88, s3;
	s6 =	simm.s32 @!p1 $0x1082;
	[sflag:s4] =	ssyncset.s32 $0xFFFFF086  }
0x25: {  	[simem:s6], [sflag:s4] =	dma.local [hbm:s3], $0xF7A  }
0x26: {  	[smem:$0x3F9D] =	sst s1;
	(tag) =	ssettag s2;
	_ =	strace s9  }
0x27: {  	s1 =	sld [smem:$0x3FAD]  }
0x28: {  	s2 =	sld [smem:$0x3FAE]  }
0x29: {  	s4 =	sld [smem:$0x3FB0]  }
0x2a: {  	p0 =	seq.s32 s5, $0x0;
	s5 =	sld [smem:$0x3FB1]  }
0x2b: {  	s6 =	sld [smem:$0x3FB2]  }
0x2c: {  	s7 =	sld [smem:$0x3FB3]  }
0x2d: {  	s3 =	simm.s32 $0x108;
	s8 =	sld [smem:$0x3FB4]  }
0x2e: {  	s3 =	simm.s32 @!p0 $0x1082;
	s9 =	sld [smem:$0x3FB5]  }
0x2f: {  	lr =	sadd.s32 s0, s3;
	s0 =	sld [smem:$0x3FAC]  }
0x30: {  	s3 =	sld [smem:$0x3FAF]  }
0x31: {  	[smem:$0x3FB8] =	sst s10  }
0x32: {  	s10 =	sld [smem:$0x3FB6];
	_ =	sdelay $0x3  }
0x33: {  	p0 =	seq.s32 s10, $0x1;
	s10 =	sld [smem:$0x3FB8];
	_ =	sdelay $0x3  }
0x34: {  	[smem:$0x3FB8] =	sst s10  }
0x35: {  	s10 =	sld [smem:$0x3FB7];
	_ =	sdelay $0x3  }
0x36: {  	p1 =	seq.s32 s10, $0x1;
	s10 =	sld [smem:$0x3FB8];
	_ =	sdelay $0x3  }
0x37: {  	[smem:$0x3FB8] =	sst s10  }
0x38: {  	s10 =	sld [smem:$0x3FB9]  }
0x39: {  	_ = 	snop;
	(pc) =	sbr.ind lr, $3  }
0x3a: {  	_ = 	snop  }
0x3b: {  	_ = 	snop  }
0x3c: {  	p2 =	seq.s32 s10, $0x1;
	s10 =	sld [smem:$0x3FB8]  }
0x3d: {  	_ =	shalt  }
0x3e: {  	_ =	shalt  }
0x3f: {  	_ =	shalt  }
0x40: {  	_ =	shalt  }
0x41: {  	_ =	shalt  }
0x42: {  	_ =	shalt  }
0x43: {  	_ =	shalt  }
0x44: {  	_ =	shalt  }
0x45: {  	_ =	shalt  }
0x46: {  	_ =	shalt  }
0x47: {  	_ =	shalt  }
0x48: {  	_ =	shalt  }
0x49: {  	_ =	shalt  }
0x4a: {  	_ =	shalt  }
0x4b: {  	_ =	shalt  }
0x4c: {  	_ =	shalt  }
0x4d: {  	_ =	shalt  }
0x4e: {  	_ =	shalt  }
0x4f: {  	_ =	shalt  }
0x50: {  	_ =	shalt  }
0x51: {  	_ =	shalt  }
0x52: {  	_ =	shalt  }
0x53: {  	_ =	shalt  }
0x54: {  	_ =	shalt  }
0x55: {  	_ =	shalt  }
0x56: {  	_ =	shalt  }
0x57: {  	_ =	shalt  }
0x58: {  	_ =	shalt  }
0x59: {  	_ =	shalt  }
0x5a: {  	_ =	shalt  }
0x5b: {  	_ =	shalt  }
0x5c: {  	_ =	shalt  }
0x5d: {  	_ =	shalt  }
0x5e: {  	_ =	shalt  }
0x5f: {  	_ =	shalt  }
0x60: {  	_ =	shalt  }
0x61: {  	_ =	shalt  }
0x62: {  	_ =	shalt  }
0x63: {  	_ =	shalt  }
0x64: {  	_ =	shalt  }
0x65: {  	_ =	shalt  }
0x66: {  	_ =	shalt  }
0x67: {  	_ =	shalt  }
0x68: {  	_ =	shalt  }
0x69: {  	_ =	shalt  }
0x6a: {  	_ =	shalt  }
0x6b: {  	_ =	shalt  }
0x6c: {  	_ =	shalt  }
0x6d: {  	_ =	shalt  }
0x6e: {  	_ =	shalt  }
0x6f: {  	_ =	shalt  }
0x70: {  	_ =	shalt  }
0x71: {  	_ =	shalt  }
0x72: {  	_ =	shalt  }
0x73: {  	_ =	shalt  }
0x74: {  	_ =	shalt  }
0x75: {  	_ =	shalt  }
0x76: {  	_ =	shalt  }
0x77: {  	_ =	shalt  }
0x78: {  	_ =	shalt  }
0x79: {  	_ =	shalt  }
0x7a: {  	_ =	shalt  }
0x7b: {  	_ =	shalt  }
0x7c: {  	_ =	shalt  }
0x7d: {  	_ =	shalt  }
0x7e: {  	_ =	shalt  }
0x7f: {  	_ =	shalt  }
0x80: {  	_ =	shalt  }
0x81: {  	_ =	shalt  }
0x82: {  	_ =	shalt  }
0x83: {  	_ =	shalt  }
0x84: {  	_ =	shalt  }
0x85: {  	_ =	shalt  }
0x86: {  	_ =	shalt  }
0x87: {  	_ =	shalt  }
.Lfunc_end0:
.L_simem_size_0:
called_computation_lowered:
.L_overlay_start_0:
0x88: {  	s2 =	sld [smem:$0x3FD9]  }
0x89: {  	s3 =	sld [smem:$0x3FFE];
	_ =	sdelay $0x1  }
0x8a: {  	s1 =	srdreg.scid  }
0x8b: {  	s0 =	sand.u32 $0x1, s1  }
0x8c: {  	s17 =	sshll.u32 s0, $0xA;
	s2 =	sadd.s32 s3, s2  }
0x8d: {  	s2 =	sadd.s32 s2, s17  }
0x8e: {  	[smem:$0x3FC4] =	sst s2  }
0x8f: {  	_ = 	snop  }
0x90: {  	s2 =	sld [smem:$0x3FC9]  }
0x91: {  	s18 =	sld [smem:$0x3FC8]  }
0x92: {  	s4 =	sld [smem:$0x3FD0];
	(tm) =	ssettm $0x1  }
0x93: {  	s5 =	sld [smem:$0x3FFB];
	_ =	sdelay $0x3  }
0x94: {  	_ =	strace s5  }
0x95: {  	s5 =	sld [smem:$0x3FFC];
	_ =	sdelay $0x3  }
0x96: {  	_ =	strace s5  }
0x97: {  	s5 =	sld [smem:$0x3FFD];
	_ =	sdelay $0x3  }
0x98: {  	_ =	strace s5  }
0x99: {  	_ =	strace $0x8FFFFFFF  }
0x9a: {  	s19 =	sld [smem:$0x3FDB];
	_ =	sdelay $0x1  }
0x9b: {  	s6 =	simm.s32 $_scs_section_size  }
0x9c: {  	s7 =	simm.s32 $_size__tile_overlayer_lowered;
	s8 =	simm.s32 $_tile_overlayer_lowered  }
0x9d: {  	s22 =	simm.s32 $0x1BFF;
	s21 =	sshll.u32 s8, $0x1;
	s5 =	sadd.s32 s6, s19  }
0x9e: {  	s9 =	simm.s32 $0x0;
	s20 =	sshll.u32 s7, $0x1;
	s7 =	sadd.s32 s21, s5  }
0x9f: {  	[timem:s9], [sflag:s22] =	dma.local [hbm:s7], s20  }
0xa0: {  	_ =	swait.ge [sflag:s22], s20  }
0xa1: {  	s6 =	ssub.s32 $0x0, s20;
	[sflag:s22] =	ssyncset.done $0x0  }
0xa2: {  	[sflag:s22] =	ssyncadd.s32 s6;
	_ =	sdelay $0x1  }
0xa3: {  	s23 =	simm.s32 $0x1B8B  }
0xa4: {  	_ =	swait.ge [sflag:s23], $0x1  }
0xa5: {  	[sflag:s23] =	ssyncset.done $0x0  }
0xa6: {  	s25 =	simm.s32 $0x1B8E;
	s24 =	sld [smem:$0x3FFE];
	[sflag:s23] =	ssyncadd.s32 $0xFFFFFFFF  }
0xa7: {  	s26 =	simm.s32 $execute0_lowered;
	[smem:$0x3FD2] =	sst s25  }
0xa8: {  	s7 =	sshll.u32 s26, $0x1;
	_ =	strace $0x80000046;
	[dreg:$0x1] =	wrdreg $0xFFFFFFFF  }
0xa9: {  	s28 =	simm.s32 $_size_execute0_lowered;
	s5 =	sadd.s32 s5, s7;
	[dreg:$0x0] =	wrdreg $0x0  }
0xaa: {  	s7 =	sshll.u32 s28, $0x1;
	[dreg:$0x2] =	wrdreg s5  }
0xab: {  	[dreg:$0x3] =	wrdreg s7  }
0xac: {  	[dreg:$0x4] =	wrdreg $0xC0  }
0xad: {  	_ =	task [dreg:s9], $0x5FFFF  }
0xae: {  	[dreg:$0x1] =	wrdreg $0xFFFFFFFF  }
0xaf: {  	[dreg:$0x0] =	wrdreg $0x60  }
0xb0: {  	[dreg:$0x2] =	wrdreg s2  }
0xb1: {  	[dreg:$0x3] =	wrdreg s18  }
0xb2: {  	[dreg:$0x4] =	wrdreg s24  }
0xb3: {  	[dreg:$0x5] =	wrdreg s4  }
0xb4: {  	[dreg:$0x6] =	wrdreg $0x9  }
0xb5: {  	_ =	task.clear_ibuf [dreg:s9], $0x7FFFF;
	_ =	strace $0x90000046  }
0xb6: {  	s29 =	simm.s32 $0x9;
	_ =	strace $0x80000048  }
0xb7: {  	_ =	swait.ge [sflag:s29], $0x1  }
0xb8: {  	[sflag:s29] =	ssyncadd.s32 $0xFFFFFFFF  }
0xb9: {  	_ =	strace $0x90000048  }
0xba: {  	_ =	sfence  }
0xbb: {  	s30 =	sld [smem:$0x0];
	_ =	sdelay $0x2  }
0xbc: {  	s31 =	sshll.u32 s1, $0xD;
	s1 =	sshrl.u32 s1, $0x2  }
0xbd: {  	s3 =	sand.u32 $0x4000, s31;
	s1 =	sadd.s32 s1, s30  }
0xbe: {  	s0 =	sor.u32 s3, s0;
	s1 =	sshll.u32 s1, $0x11  }
0xbf: {  	s0 =	sor.u32 s1, s0  }
0xc0: {  	s0 =	sadd.s32 $0x8F2B, s0  }
0xc1: {  	[sflag:s0] =	ssyncadd.remote.s32 $0x1  }
0xc2: {  	_ =	sfence.sel $0xFFFF  }
0xc3: {  	[dreg:$0x0] =	wrdreg $0xFFFFFFFF;
	(pc) =	sbr.abs _section_cstart, $3  }
0xc4: {  	[dreg:$0x1] =	wrdreg $0xFFFFFFFF  }
0xc5: {  	_ =	task.clear_ibuf [dreg:s9], $0x2FFFF;
	_ =	strace $0x9FFFFFFF  }
0xc6: {  	(tm) =	ssettm $0x7FFFFFFF  }
0xc7: {  	_ =	shalt  }
tec
execute0_lowered:
.L_overlay_start_1:
0x0: {  	(tag) =	ssettag $0x1  }
0x1: {  	v0 =	vimm.s32 $0xFEDCBA98;
	s1 =	rddreg [dreg:$0x0];
	v1 =	vimm.s32 $0x76543210  }
0x2: {  	s6 =	rddreg [dreg:$0x1];
	v2 =	vimm.s32 $0xBA98FEDC;
	v3 =	vimm.s32 $0x32107654;
	v4 =	vimm.s32 $0xDCFE98BA  }
0x3: {  	s4 =	rddreg [dreg:$0x2];
	v5 =	vimm.s32 $0x54761032;
	v6 =	vimm.s32 $0xEFCDAB89;
	v7 =	vimm.s32 $0x67452301  }
0x4: {  	s7 =	rddreg [dreg:$0x3];
	s0 =	simm.s32 $0x0;
	s2 =	srdreg.scid;
	vm0 =	vmmov $0x1;
	vm1 =	vmmov $0x3;
	vm2 =	vmmov $0x7  }
0x5: {  	s11 =	simm.s32 $0x80;
	s12 =	simm.s32 $0x400;
	s13 =	simm.s32 $0x4400;
	vm3 =	vmmov $0xf;
	vm4 =	vmmov $0x1f;
	vm5 =	vmmov $0x3f  }
0x6: {  	s14 =	simm.s32 $0x1400;
	s15 =	simm.s32 $0x280;
	s16 =	simm.s32 $0x5400;
	vm6 =	vmmov $0x7f;
	vm7 =	vmmov $0xff;
	vm8 =	vmmov $0x1ff  }
0x7: {  	s17 =	simm.s32 $0x100;
	s18 =	simm.s32 $0x2400;
	s19 =	simm.s32 $0x300;
	vm9 =	vmmov $0x3ff;
	vm10 =	vmmov $0x7ff;
	vm11 =	vmmov $0xfff  }
0x8: {  	s20 =	simm.s32 $0x6400;
	s21 =	simm.s32 $0x180;
	s22 =	simm.s32 $0x3400;
	v0 =	vunpack.c.l.s4.s8 v0;
	v1 =	vunpack.c.l.s4.s8 v1;
	v2 =	vunpack.c.l.s4.s8 v2  }
0x9: {  	s23 =	simm.s32 $0x380;
	s24 =	simm.s32 $0x7400;
	s25 =	simm.s32 $0x1;
	v3 =	vunpack.c.l.s4.s8 v3;
	v4 =	vunpack.c.l.s4.s8 v4;
	v5 =	vunpack.c.l.s4.s8 v5  }
0xa: {  	s26 =	simm.s32 $0x2;
	s28 =	simm.s32 $0x8400;
	s29 =	simm.s32 $0x0;
	v6 =	vunpack.c.l.s4.s8 v6;
	v7 =	vunpack.c.l.s4.s8 v7;
	v0 =	vunpack.c.0.s8.s32 v0  }
0xb: {  	[smem:$0x7FF] =	sst s0;
	s5 =	sand.u32 $0x1, s2;
	s3 =	sadd.s32 $0xF42800, s4;
	v2 =	vunpack.c.0.s8.s32 v2;
	v3 =	vunpack.c.0.s8.s32 v3;
	v4 =	vunpack.c.0.s8.s32 v4  }
0xc: {  	s2 =	stileid.u32;
	s4 =	sadd.s32 $0x1313200, s4;
	_ =	strace $0x80000047;
	v5 =	vunpack.c.0.s8.s32 v5;
	v6 =	vunpack.c.0.s8.s32 v6;
	v7 =	vunpack.c.0.s8.s32 v7  }
0xd: {  	vm12 =	vmmov $0x1fff;
	s8 =	ssub.s32 $0x2, s5;
	s10 =	sshll.u32 s2, $0x7;
	s5 =	sshll.u32 s5, $0x6;
	v1 =	vunpack.c.0.s8.s32 v1;
	v2 =	vcombine.low v3, v2  }
0xe: {  	s9 =	sshrl.u32 s8, $0x1;
	s31 =	sor.u32 s5, s10;
	s10 =	simm.s32 $0x200;
	v3 =	vcombine.low v5, v4;
	v4 =	vcombine.low v7, v6;
	v0 =	vand.u32 $0xF, v0  }
0xf: {  	vm13 =	vmmov $0x3fff;
	vm14 =	vmmov $0x7fff;
	s8 =	ssub.s32 s8, s9;
	s5 =	sadd.s32 s1, s31;
	s6 =	sadd.s32 s6, s31;
	v0 =	vcombine.low v0, v1  }
0x10: {  	s7 =	sadd.s32 s7, s31;
	s9 =	simm.s32 $0x3;
	s8 =	smax.u32 s8, $0x1;
	v1 =	vand.u32 $0xF, v2;
	v2 =	vand.u32 $0xF, v3;
	v3 =	vand.u32 $0xF, v4  }
.LBB2_1:
0x11: {  	[tilespmem:s0], [sflag:$0x3] =	stream.linear.gather [hbm4b:s5+s0], $0x200, $0x38;
	[tilespmem:$0x8600] =	vst v63  }
0x12: {  	_ =	swait.ge [sflag:s9], $0x200  }
0x13: {  	[sflag:s9] =	ssyncset.done $0x0  }
0x14: {  	[sflag:s9] =	ssyncadd.s32 $0xFFFFFE00  }
0x15: {  	[tilespmem:s10], [sflag:$0x3] =	stream.linear.gather [hbm4b:s6+s0], $0x200, $0x38;
	[tilespmem:$0x8600] =	vst v63  }
0x16: {  	_ =	swait.ge [sflag:s9], $0x200  }
0x17: {  	[sflag:s9] =	ssyncset.done $0x0  }
0x18: {  	[sflag:s9] =	ssyncadd.s32 $0xFFFFFE00  }
0x19: {  	[tilespmem:s12], [sflag:$0x1] =	stream.indirect.gather [hbm4b:s3+s11], $0x20, s0, s11, $0xb8;
	[tilespmem:$0x8600] =	vst v63  }
0x1a: {  	_ = 	snop  }
0x1b: {  	[tilespmem:s13], [sflag:$0x2] =	stream.indirect.gather [hbm4b:s4+s11], $0x20, s10, s11, $0xb8;
	[tilespmem:$0x8600] =	vst v63  }
0x1c: {  	_ = 	snop  }
0x1d: {  	[tilespmem:s14], [sflag:$0x1] =	stream.indirect.gather [hbm4b:s3+s11], $0x20, s11, s11, $0xb8;
	[tilespmem:$0x8600] =	vst v63  }
0x1e: {  	_ = 	snop  }
0x1f: {  	[tilespmem:s16], [sflag:$0x2] =	stream.indirect.gather [hbm4b:s4+s11], $0x20, s15, s11, $0xb8;
	[tilespmem:$0x8600] =	vst v63  }
0x20: {  	_ = 	snop  }
0x21: {  	[tilespmem:s18], [sflag:$0x1] =	stream.indirect.gather [hbm4b:s3+s11], $0x20, s17, s11, $0xb8;
	[tilespmem:$0x8600] =	vst v63  }
0x22: {  	_ = 	snop  }
0x23: {  	[tilespmem:s20], [sflag:$0x2] =	stream.indirect.gather [hbm4b:s4+s11], $0x20, s19, s11, $0xb8;
	[tilespmem:$0x8600] =	vst v63  }
0x24: {  	_ = 	snop  }
0x25: {  	[tilespmem:s22], [sflag:$0x1] =	stream.indirect.gather [hbm4b:s3+s11], $0x20, s21, s11, $0xb8;
	[tilespmem:$0x8600] =	vst v63  }
0x26: {  	_ = 	snop  }
0x27: {  	[tilespmem:s24], [sflag:$0x2] =	stream.indirect.gather [hbm4b:s4+s11], $0x20, s23, s11, $0xb8;
	[tilespmem:$0x8600] =	vst v63  }
0x28: {  	_ =	swait.ge [sflag:s25], $0x1000  }
0x29: {  	[sflag:s25] =	ssyncset.done $0x0  }
0x2a: {  	[sflag:s25] =	ssyncadd.s32 $0xFFFFF000  }
0x2b: {  	_ =	swait.ge [sflag:s26], $0x1000  }
0x2c: {  	[sflag:s26] =	ssyncset.done $0x0  }
0x2d: {  	[sflag:s26] =	ssyncadd.s32 $0xFFFFF000  }
0x2e: {  	_ =	swait.ge [sflag:s25], $0x1000  }
0x2f: {  	[sflag:s25] =	ssyncset.done $0x0  }
0x30: {  	[sflag:s25] =	ssyncadd.s32 $0xFFFFF000  }
0x31: {  	_ =	swait.ge [sflag:s26], $0x1000  }
0x32: {  	[sflag:s26] =	ssyncset.done $0x0  }
0x33: {  	[sflag:s26] =	ssyncadd.s32 $0xFFFFF000  }
0x34: {  	_ =	swait.ge [sflag:s25], $0x1000  }
0x35: {  	[sflag:s25] =	ssyncset.done $0x0  }
0x36: {  	[sflag:s25] =	ssyncadd.s32 $0xFFFFF000  }
0x37: {  	_ =	swait.ge [sflag:s26], $0x1000  }
0x38: {  	[sflag:s26] =	ssyncset.done $0x0  }
0x39: {  	[sflag:s26] =	ssyncadd.s32 $0xFFFFF000  }
0x3a: {  	_ =	swait.ge [sflag:s25], $0x1000  }
0x3b: {  	[sflag:s25] =	ssyncset.done $0x0  }
0x3c: {  	[sflag:s25] =	ssyncadd.s32 $0xFFFFF000  }
0x3d: {  	_ =	swait.ge [sflag:s26], $0x1000  }
0x3e: {  	[sflag:s26] =	ssyncset.done $0x0  }
0x3f: {  	s1 =	simm.s32 $0x0;
	[sflag:s26] =	ssyncadd.s32 $0xFFFFF000  }
0x40: {  	v4 =	vld [tilespmem:s1+$0x5E0]  }
0x41: {  	v5 =	vld [tilespmem:s1+$0x45E0]  }
0x42: {  	v6 =	vld [tilespmem:s1+$0x5F0]  }
0x43: {  	v7 =	vld [tilespmem:s1+$0x45F0]  }
0x44: {  	v8 =	vld [tilespmem:s1+$0x5C0]  }
0x45: {  	v9 =	vld [tilespmem:s1+$0x45C0]  }
0x46: {  	v10 =	vld [tilespmem:s1+$0x5D0]  }
0x47: {  	v11 =	vld [tilespmem:s1+$0x45D0]  }
0x48: {  	v12 =	vld [tilespmem:s1+$0x5A0]  }
0x49: {  	v13 =	vld [tilespmem:s1+$0x45A0]  }
0x4a: {  	v14 =	vld [tilespmem:s1+$0x5B0]  }
0x4b: {  	v15 =	vld [tilespmem:s1+$0x45B0]  }
0x4c: {  	v16 =	vld [tilespmem:s1+$0x580]  }
0x4d: {  	v17 =	vld [tilespmem:s1+$0x4580]  }
0x4e: {  	v18 =	vld [tilespmem:s1+$0x590]  }
0x4f: {  	v19 =	vld [tilespmem:s1+$0x4590]  }
0x50: {  	v20 =	vld [tilespmem:s1+$0x560]  }
0x51: {  	v21 =	vld [tilespmem:s1+$0x4560]  }
0x52: {  	v22 =	vld [tilespmem:s1+$0x570]  }
0x53: {  	v23 =	vld [tilespmem:s1+$0x4570]  }
0x54: {  	v24 =	vld [tilespmem:s1+$0x540]  }
0x55: {  	v25 =	vld [tilespmem:s1+$0x4540]  }
0x56: {  	v26 =	vld [tilespmem:s1+$0x550]  }
0x57: {  	v27 =	vld [tilespmem:s1+$0x4550]  }
0x58: {  	v28 =	vld [tilespmem:s1+$0x520]  }
0x59: {  	v29 =	vld [tilespmem:s1+$0x4520]  }
0x5a: {  	v30 =	vld [tilespmem:s1+$0x530]  }
0x5b: {  	v31 =	vld [tilespmem:s1+$0x4530]  }
0x5c: {  	v32 =	vld [tilespmem:s1+$0x500]  }
0x5d: {  	v33 =	vld [tilespmem:s1+$0x4500]  }
0x5e: {  	v34 =	vld [tilespmem:s1+$0x4A0]  }
0x5f: {  	v37 =	vld [tilespmem:s1+$0x44A0]  }
0x60: {  	v61 =	vld [tilespmem:s1+$0x4450]  }
0x61: {  	v43 =	vld [tilespmem:s1+$0x4470]  }
0x62: {  	v4 =	vmul.f32 v5, v4;
	v5 =	vmul.f32 v7, v6;
	v7 =	vld [tilespmem:s1+$0x510]  }
0x63: {  	v6 =	vmul.f32 v9, v8;
	v8 =	vmul.f32 v11, v10;
	v9 =	vld [tilespmem:s1+$0x4510]  }
0x64: {  	v10 =	vmul.f32 v13, v12;
	v11 =	vmul.f32 v15, v14;
	v12 =	vld [tilespmem:s1+$0x4E0]  }
0x65: {  	v13 =	vmul.f32 v17, v16;
	v14 =	vmul.f32 v19, v18;
	v15 =	vld [tilespmem:s1+$0x44E0]  }
0x66: {  	v16 =	vld [tilespmem:s1+$0x4C0];
	v20 =	vmul.f32 v21, v20;
	v21 =	vmul.f32 v23, v22  }
0x67: {  	v19 =	vld [tilespmem:s1+$0x44C0];
	v23 =	vmul.f32 v25, v24;
	v24 =	vmul.f32 v27, v26;
	v6 =	vadd.f32 v8, v6  }
0x68: {  	v26 =	vmul.f32 v29, v28;
	v27 =	vmul.f32 v31, v30;
	v4 =	vadd.f32 v5, v4;
	v8 =	vld [tilespmem:s1+$0x4F0]  }
0x69: {  	v5 =	vadd.f32 v14, v13;
	v10 =	vadd.f32 v11, v10;
	v11 =	vld [tilespmem:s1+$0x44F0];
	v13 =	vperm.xlane v6, v0  }
0x6a: {  	v14 =	vperm.xlane v4, v0;
	v7 =	vmul.f32 v9, v7;
	v9 =	vadd.f32 v21, v20;
	v20 =	vld [tilespmem:s1+$0x470]  }
0x6b: {  	v17 =	vperm.xlane v5, v0;
	v12 =	vmul.f32 v15, v12;
	v15 =	vld [tilespmem:s1+$0x440]  }
0x6c: {  	v18 =	vperm.xlane v10, v0;
	v16 =	vmul.f32 v19, v16;
	v19 =	vld [tilespmem:s1+$0x4440]  }
0x6d: {  	v28 =	vmul.f32 v33, v32;
	v21 =	vld [tilespmem:s1+$0x450];
	v6 =	vadd.f32 v6, v13;
	v4 =	vadd.f32 v4, v14  }
0x6e: {  	v34 =	vmul.f32 v37, v34;
	v13 =	vld [tilespmem:s1+$0x4D0];
	v5 =	vadd.f32 v5, v17;
	v10 =	vadd.f32 v10, v18  }
0x6f: {  	v14 =	vld [tilespmem:s1+$0x44D0];
	v8 =	vmul.f32 v11, v8;
	v11 =	vadd.f32 v24, v23;
	v17 =	vperm.xlane v6, v1  }
0x70: {  	v7 =	vadd.f32 v7, v28;
	v18 =	vperm.xlane v4, v1;
	v35 =	vperm.xlane v5, v1  }
0x71: {  	v57 =	vld [tilespmem:s1+$0x44B0];
	v36 =	vperm.xlane v10, v1;
	v8 =	vadd.f32 v8, v12;
	v12 =	vperm.xlane v9, v0  }
0x72: {  	v38 =	vld [tilespmem:s1+$0x480];
	v23 =	vperm.xlane v11, v0;
	v6 =	vadd.f32 v6, v17;
	v4 =	vadd.f32 v4, v18  }
0x73: {  	v41 =	vld [tilespmem:s1+$0x4480];
	v18 =	vadd.f32 v5, v35;
	v15 =	vmul.f32 v19, v15;
	v19 =	vmul.f32 v61, v21  }
0x74: {  	v25 =	vld [tilespmem:s1+$0x460];
	v10 =	vadd.f32 v10, v36;
	v20 =	vmul.f32 v43, v20;
	v13 =	vmul.f32 v14, v13  }
0x75: {  	v29 =	vld [tilespmem:s1+$0x420];
	v14 =	vadd.f32 v27, v26;
	v26 =	vperm.xlane v8, v0;
	v27 =	vperm.xlane v7, v0  }
0x76: {  	v24 =	vld [tilespmem:s1+$0x4400];
	v9 =	vadd.f32 v9, v12;
	v5 =	vperm.xlane v6, v2;
	v58 =	vperm.xlane v4, v2  }
0x77: {  	v17 =	vld [tilespmem:s1+$0x4B0];
	v11 =	vadd.f32 v11, v23;
	v39 =	vperm.xlane v18, v2;
	v40 =	vperm.xlane v10, v2  }
0x78: {  	v12 =	vld [tilespmem:s1+$0x400];
	v15 =	vadd.f32 v19, v15;
	v13 =	vadd.f32 v13, v16;
	v16 =	vperm.xlane v14, v0  }
0x79: {  	v19 =	vmul.f32 v41, v38;
	v8 =	vadd.f32 v8, v26;
	v26 =	vld [tilespmem:s1+$0x4410];
	v5 =	vadd.f32 v6, v5  }
0x7a: {  	v23 =	vperm.xlane v9, v1;
	v6 =	vadd.f32 v10, v40;
	v10 =	vld [tilespmem:s1+$0x4460];
	v14 =	vadd.f32 v14, v16  }
0x7b: {  	v7 =	vadd.f32 v7, v27;
	v28 =	vperm.xlane v13, v0;
	v16 =	vld [tilespmem:s1+$0x410];
	v30 =	vperm.xlane v8, v1  }
0x7c: {  	v4 =	vadd.f32 v4, v58;
	v9 =	vadd.f32 v9, v23;
	v23 =	vld [tilespmem:s1+$0x4420];
	v27 =	vperm.xlane v14, v1  }
0x7d: {  	v31 =	vperm.xlane v7, v1;
	v13 =	vadd.f32 v13, v28;
	v8 =	vadd.f32 v8, v30;
	v30 =	vld [tilespmem:s1+$0x4430]  }
0x7e: {  	v17 =	vmul.f32 v57, v17;
	v28 =	vperm.xlane v11, v1;
	v14 =	vadd.f32 v14, v27;
	v27 =	vld [tilespmem:s1+$0x430]  }
0x7f: {  	v12 =	vmul.f32 v24, v12;
	v7 =	vadd.f32 v7, v31;
	v59 =	vperm.xlane v13, v1  }
0x80: {  	v22 =	vld [tilespmem:s1+$0x490];
	v11 =	vadd.f32 v11, v28;
	v28 =	vperm.xlane v9, v2;
	v62 =	vperm.xlane v8, v2  }
0x81: {  	v18 =	vadd.f32 v18, v39;
	v63 =	vperm.xlane v7, v2;
	v10 =	vmul.f32 v10, v25;
	v25 =	vld [tilespmem:s1+$0x4490]  }
0x82: {  	v17 =	vadd.f32 v17, v34;
	v16 =	vmul.f32 v26, v16;
	v23 =	vmul.f32 v23, v29  }
0x83: {  	v13 =	vadd.f32 v13, v59;
	v9 =	vadd.f32 v9, v28;
	v24 =	vmul.f32 v30, v27  }
0x84: {  	v31 =	vperm.xlane v14, v2;
	v7 =	vadd.f32 v7, v63;
	v8 =	vadd.f32 v8, v62  }
0x85: {  	v60 =	vperm.xlane v11, v2;
	v12 =	vadd.f32 v16, v12;
	v16 =	vadd.f32 v24, v23  }
0x86: {  	v10 =	vadd.f32 v20, v10;
	v20 =	vperm.xlane v15, v0;
	v21 =	vmul.f32 v25, v22  }
0x87: {  	v11 =	vadd.f32 v11, v60;
	v22 =	vperm.xlane v12, v0;
	v23 =	vperm.xlane v16, v0  }
0x88: {  	v44 =	vperm.xlane v13, v2;
	v14 =	vadd.f32 v14, v31;
	v19 =	vadd.f32 v21, v19  }
0x89: {  	v12 =	vadd.f32 v12, v22;
	v21 =	vperm.xlane v10, v0;
	v16 =	vadd.f32 v16, v23  }
0x8a: {  	v15 =	vadd.f32 v15, v20;
	v22 =	vperm.xlane v17, v0;
	v20 =	vperm.xlane v19, v0  }
0x8b: {  	v10 =	vadd.f32 v10, v21;
	v23 =	vperm.xlane v12, v1;
	v24 =	vperm.xlane v16, v1  }
0x8c: {  	v21 =	vperm.xlane v15, v1;
	v17 =	vadd.f32 v17, v22;
	v19 =	vadd.f32 v19, v20  }
0x8d: {  	v20 =	vperm.xlane v10, v1;
	v12 =	vadd.f32 v12, v23;
	v16 =	vadd.f32 v16, v24  }
0x8e: {  	v15 =	vadd.f32 v15, v21;
	v22 =	vperm.xlane v17, v1;
	v21 =	vperm.xlane v19, v1  }
0x8f: {  	v10 =	vadd.f32 v10, v20;
	v23 =	vperm.xlane v12, v2;
	v24 =	vperm.xlane v16, v2  }
0x90: {  	v20 =	vperm.xlane v15, v2;
	v17 =	vadd.f32 v17, v22;
	v19 =	vadd.f32 v19, v21  }
0x91: {  	v21 =	vperm.xlane v10, v2;
	v12 =	vadd.f32 v12, v23;
	v16 =	vadd.f32 v16, v24  }
0x92: {  	v15 =	vadd.f32 v15, v20;
	v22 =	vperm.xlane v17, v2;
	v20 =	vperm.xlane v19, v2  }
0x93: {  	v10 =	vadd.f32 v10, v21;
	v23 =	vperm.xlane v12, v3;
	v24 =	vperm.xlane v16, v3  }
0x94: {  	v21 =	vperm.xlane v15, v3;
	v17 =	vadd.f32 v17, v22;
	v19 =	vadd.f32 v19, v20  }
0x95: {  	v20 =	vperm.xlane v10, v3;
	v12 =	vadd.f32 v12, v23;
	v16 =	vadd.f32 v16, v24  }
0x96: {  	v13 =	vadd.f32 v13, v44;
	v15 =	vadd.f32 v15, v21;
	v21 =	vperm.xlane v19, v3  }
0x97: {  	v10 =	vadd.f32 v10, v20;
	v12 =	vsel vm0, v12, v16;
	v16 =	vperm.xlane v17, v3  }
0x98: {  	v12 =	vsel vm1, v12, v15;
	v15 =	vadd.f32 v19, v21;
	v19 =	vperm.xlane v13, v3  }
0x99: {  	v10 =	vsel vm2, v12, v10;
	v12 =	vadd.f32 v17, v16;
	v16 =	vperm.xlane v8, v3  }
0x9a: {  	v10 =	vsel vm3, v10, v15;
	v13 =	vadd.f32 v13, v19;
	v15 =	vperm.xlane v7, v3  }
0x9b: {  	v10 =	vsel vm4, v10, v12;
	v8 =	vadd.f32 v8, v16;
	v12 =	vperm.xlane v14, v3  }
0x9c: {  	v10 =	vsel vm5, v10, v13;
	v7 =	vadd.f32 v7, v15;
	v13 =	vperm.xlane v11, v3  }
0x9d: {  	v8 =	vsel vm6, v10, v8;
	v10 =	vadd.f32 v14, v12;
	v12 =	vperm.xlane v9, v3  }
0x9e: {  	v7 =	vsel vm7, v8, v7;
	v8 =	vadd.f32 v11, v13;
	v11 =	vperm.xlane v18, v3  }
0x9f: {  	v7 =	vsel vm8, v7, v10;
	v9 =	vadd.f32 v9, v12;
	v10 =	vperm.xlane v6, v3  }
0xa0: {  	v7 =	vsel vm9, v7, v8;
	v8 =	vadd.f32 v18, v11;
	v11 =	vperm.xlane v5, v3  }
0xa1: {  	v7 =	vsel vm10, v7, v9;
	v6 =	vadd.f32 v6, v10;
	v9 =	vperm.xlane v4, v3  }
0xa2: {  	v7 =	vsel vm11, v7, v8;
	v5 =	vadd.f32 v5, v11  }
0xa3: {  	v6 =	vsel vm12, v7, v6;
	v4 =	vadd.f32 v4, v9  }
0xa4: {  	v5 =	vsel vm13, v6, v5  }
0xa5: {  	v4 =	vsel vm14, v5, v4  }
0xa6: {  	s31 =	simm.s32 $0x200;
	[tilespmem:s28+$0x0] =	vst v4  }
0xa7: {  	v4 =	vld [tilespmem:s31+$0x5E0]  }
0xa8: {  	v5 =	vld [tilespmem:s31+$0x45E0]  }
0xa9: {  	v6 =	vld [tilespmem:s31+$0x5F0]  }
0xaa: {  	v7 =	vld [tilespmem:s31+$0x45F0]  }
0xab: {  	v8 =	vld [tilespmem:s31+$0x5C0]  }
0xac: {  	v9 =	vld [tilespmem:s31+$0x45C0]  }
0xad: {  	v10 =	vld [tilespmem:s31+$0x5D0]  }
0xae: {  	v11 =	vld [tilespmem:s31+$0x45D0]  }
0xaf: {  	v12 =	vld [tilespmem:s31+$0x5A0]  }
0xb0: {  	v13 =	vld [tilespmem:s31+$0x45A0]  }
0xb1: {  	v14 =	vld [tilespmem:s31+$0x5B0]  }
0xb2: {  	v15 =	vld [tilespmem:s31+$0x45B0]  }
0xb3: {  	v16 =	vld [tilespmem:s31+$0x580]  }
0xb4: {  	v17 =	vld [tilespmem:s31+$0x4580]  }
0xb5: {  	v18 =	vld [tilespmem:s31+$0x590]  }
0xb6: {  	v19 =	vld [tilespmem:s31+$0x4590]  }
0xb7: {  	v20 =	vld [tilespmem:s31+$0x560]  }
0xb8: {  	v21 =	vld [tilespmem:s31+$0x4560]  }
0xb9: {  	v22 =	vld [tilespmem:s31+$0x570]  }
0xba: {  	v23 =	vld [tilespmem:s31+$0x4570]  }
0xbb: {  	v24 =	vld [tilespmem:s31+$0x540]  }
0xbc: {  	v25 =	vld [tilespmem:s31+$0x4540]  }
0xbd: {  	v26 =	vld [tilespmem:s31+$0x550]  }
0xbe: {  	v27 =	vld [tilespmem:s31+$0x4550]  }
0xbf: {  	v28 =	vld [tilespmem:s31+$0x520]  }
0xc0: {  	v29 =	vld [tilespmem:s31+$0x4520]  }
0xc1: {  	v30 =	vld [tilespmem:s31+$0x530]  }
0xc2: {  	v31 =	vld [tilespmem:s31+$0x4530]  }
0xc3: {  	v45 =	vld [tilespmem:s31+$0x500]  }
0xc4: {  	v46 =	vld [tilespmem:s31+$0x4500]  }
0xc5: {  	v47 =	vld [tilespmem:s31+$0x510]  }
0xc6: {  	v48 =	vld [tilespmem:s31+$0x4510];
	v4 =	vmul.f32 v5, v4  }
0xc7: {  	v49 =	vld [tilespmem:s31+$0x4E0];
	v5 =	vmul.f32 v7, v6;
	v6 =	vmul.f32 v9, v8  }
0xc8: {  	v50 =	vld [tilespmem:s31+$0x4F0];
	v7 =	vmul.f32 v11, v10;
	v8 =	vmul.f32 v13, v12  }
0xc9: {  	v51 =	vld [tilespmem:s31+$0x44F0];
	v9 =	vmul.f32 v15, v14;
	v10 =	vmul.f32 v17, v16  }
0xca: {  	v52 =	vld [tilespmem:s31+$0x4C0];
	v11 =	vmul.f32 v19, v18;
	v20 =	vmul.f32 v21, v20  }
0xcb: {  	v53 =	vld [tilespmem:s31+$0x44C0];
	v21 =	vmul.f32 v23, v22;
	v22 =	vmul.f32 v25, v24  }
0xcc: {  	v54 =	vld [tilespmem:s31+$0x4D0];
	v23 =	vmul.f32 v27, v26;
	v24 =	vmul.f32 v29, v28  }
0xcd: {  	v18 =	vld [tilespmem:s31+$0x44E0];
	v25 =	vmul.f32 v31, v30;
	v26 =	vmul.f32 v46, v45;
	v6 =	vadd.f32 v7, v6  }
0xce: {  	v42 =	vld [tilespmem:s31+$0x44D0];
	v27 =	vmul.f32 v48, v47;
	v4 =	vadd.f32 v5, v4;
	v5 =	vadd.f32 v11, v10  }
0xcf: {  	v12 =	vld [tilespmem:s31+$0x44A0];
	v29 =	vmul.f32 v51, v50;
	v7 =	vadd.f32 v9, v8;
	v28 =	vadd.f32 v21, v20  }
0xd0: {  	v17 =	vld [tilespmem:s31+$0x460];
	v30 =	vadd.f32 v23, v22;
	v22 =	vmul.f32 v53, v52;
	v8 =	vperm.xlane v6, v0  }
0xd1: {  	v24 =	vadd.f32 v25, v24;
	v20 =	vld [tilespmem:s31+$0x4440];
	v9 =	vperm.xlane v4, v0;
	v10 =	vperm.xlane v5, v0  }
0xd2: {  	v26 =	vadd.f32 v27, v26;
	v11 =	vperm.xlane v7, v0;
	v21 =	vmul.f32 v18, v49;
	v18 =	vld [tilespmem:s31+$0x440]  }
0xd3: {  	v27 =	vperm.xlane v28, v0;
	v31 =	vperm.xlane v24, v0;
	v5 =	vadd.f32 v5, v10;
	v10 =	vld [tilespmem:s31+$0x4A0]  }
0xd4: {  	v57 =	vperm.xlane v26, v0;
	v6 =	vadd.f32 v6, v8;
	v7 =	vadd.f32 v7, v11;
	v11 =	vld [tilespmem:s31+$0x4B0]  }
0xd5: {  	v55 =	vperm.xlane v30, v0;
	v4 =	vadd.f32 v4, v9;
	v31 =	vadd.f32 v24, v31;
	v24 =	vld [tilespmem:s31+$0x410]  }
0xd6: {  	v23 =	vmul.f32 v42, v54;
	v27 =	vadd.f32 v28, v27;
	v59 =	vadd.f32 v26, v57;
	v26 =	vld [tilespmem:s31+$0x420]  }
0xd7: {  	v30 =	vadd.f32 v30, v55;
	v25 =	vadd.f32 v29, v21;
	v21 =	vld [tilespmem:s31+$0x450]  }
0xd8: {  	v29 =	vadd.f32 v23, v22;
	v22 =	vld [tilespmem:s31+$0x4400];
	v8 =	vperm.xlane v6, v1;
	v13 =	vperm.xlane v5, v1  }
0xd9: {  	v23 =	vld [tilespmem:s31+$0x400];
	v9 =	vperm.xlane v4, v1;
	v15 =	vperm.xlane v7, v1  }
0xda: {  	v60 =	vperm.xlane v27, v1;
	v61 =	vperm.xlane v30, v1;
	v14 =	vadd.f32 v5, v13;
	v13 =	vld [tilespmem:s31+$0x44B0]  }
0xdb: {  	v63 =	vperm.xlane v59, v1;
	v28 =	vperm.xlane v29, v0;
	v15 =	vadd.f32 v7, v15;
	v7 =	vld [tilespmem:s31+$0x480]  }
0xdc: {  	v56 =	vperm.xlane v25, v0;
	v6 =	vadd.f32 v6, v8;
	v4 =	vadd.f32 v4, v9;
	v8 =	vld [tilespmem:s31+$0x4480]  }
0xdd: {  	v32 =	vadd.f32 v30, v61;
	v30 =	vld [tilespmem:s31+$0x430];
	v34 =	vadd.f32 v29, v28;
	v29 =	vperm.xlane v31, v1  }
0xde: {  	v58 =	vadd.f32 v25, v56;
	v25 =	vld [tilespmem:s31+$0x4410];
	v5 =	vperm.xlane v6, v2;
	v9 =	vperm.xlane v4, v2  }
0xdf: {  	v33 =	vadd.f32 v27, v60;
	v28 =	vld [tilespmem:s31+$0x4420];
	v16 =	vperm.xlane v14, v2;
	v19 =	vperm.xlane v15, v2  }
0xe0: {  	v62 =	vperm.xlane v58, v1;
	v29 =	vadd.f32 v31, v29;
	v4 =	vadd.f32 v4, v9;
	v9 =	vld [tilespmem:s31+$0x490]  }
0xe1: {  	v36 =	vperm.xlane v34, v1;
	v5 =	vadd.f32 v6, v5;
	v6 =	vadd.f32 v15, v19;
	v19 =	vld [tilespmem:s31+$0x4460]  }
0xe2: {  	s30 =	simm.s32 $0x8400;
	s1 =	simm.s32 $0x1000;
	v35 =	vperm.xlane v33, v2;
	v31 =	vadd.f32 v59, v63;
	v15 =	vld [tilespmem:s31+$0x470];
	v27 =	vadd.f32 v58, v62  }
.LBB2_2:
0xe3: {  	p0 =	sne.s32 s1, $0xF800;
	v37 =	vld [tilespmem:s31+$0x4430];
	v34 =	vadd.f32 v34, v36;
	v36 =	vperm.xlane v29, v2;
	v38 =	vperm.xlane v32, v2  }
0xe4: {  	v14 =	vadd.f32 v14, v16;
	v39 =	vld [tilespmem:s31+$0x4450];
	v40 =	vperm.xlane v27, v2;
	v41 =	vperm.xlane v31, v2  }
0xe5: {  	v10 =	vmul.f32 v12, v10;
	v33 =	vadd.f32 v33, v35;
	v16 =	vld [tilespmem:s31+$0x4470];
	v12 =	vperm.xlane v34, v2  }
0xe6: {  	v17 =	vmul.f32 v19, v17;
	v11 =	vmul.f32 v13, v11;
	v13 =	vadd.f32 v32, v38;
	v19 =	vld [tilespmem:s31+$0x4490]  }
0xe7: {  	v22 =	vmul.f32 v22, v23;
	v23 =	vmul.f32 v25, v24;
	v24 =	vadd.f32 v29, v36  }
0xe8: {  	v25 =	vmul.f32 v28, v26;
	v28 =	vadd.f32 v31, v41;
	v26 =	vmul.f32 v37, v30  }
0xe9: {  	v18 =	vmul.f32 v20, v18;
	v20 =	vmul.f32 v39, v21;
	v21 =	vadd.f32 v27, v40  }
0xea: {  	v22 =	vadd.f32 v23, v22;
	v23 =	vadd.f32 v26, v25;
	v15 =	vmul.f32 v16, v15  }
0xeb: {  	v7 =	vmul.f32 v8, v7;
	v16 =	vadd.f32 v20, v18;
	v8 =	vmul.f32 v19, v9  }
0xec: {  	v9 =	vperm.xlane v22, v0;
	v18 =	vperm.xlane v23, v0;
	v15 =	vadd.f32 v15, v17  }
0xed: {  	v17 =	vperm.xlane v16, v0;
	v7 =	vadd.f32 v8, v7;
	v8 =	vadd.f32 v11, v10  }
0xee: {  	v9 =	vadd.f32 v22, v9;
	v10 =	vadd.f32 v23, v18;
	v11 =	vperm.xlane v15, v0  }
0xef: {  	v16 =	vadd.f32 v16, v17;
	v17 =	vperm.xlane v7, v0;
	v18 =	vperm.xlane v8, v0  }
0xf0: {  	v19 =	vperm.xlane v9, v1;
	v20 =	vperm.xlane v10, v1;
	v11 =	vadd.f32 v15, v11  }
0xf1: {  	v15 =	vperm.xlane v16, v1;
	v7 =	vadd.f32 v7, v17;
	v8 =	vadd.f32 v8, v18  }
0xf2: {  	v9 =	vadd.f32 v9, v19;
	v10 =	vadd.f32 v10, v20;
	v17 =	vperm.xlane v11, v1  }
0xf3: {  	v15 =	vadd.f32 v16, v15;
	v16 =	vperm.xlane v7, v1;
	v18 =	vperm.xlane v8, v1  }
0xf4: {  	v19 =	vperm.xlane v9, v2;
	v20 =	vperm.xlane v10, v2;
	v11 =	vadd.f32 v11, v17  }
0xf5: {  	v17 =	vperm.xlane v15, v2;
	v7 =	vadd.f32 v7, v16;
	v8 =	vadd.f32 v8, v18  }
0xf6: {  	v9 =	vadd.f32 v9, v19;
	v10 =	vadd.f32 v10, v20;
	v16 =	vperm.xlane v11, v2  }
0xf7: {  	v15 =	vadd.f32 v15, v17;
	v17 =	vperm.xlane v7, v2;
	v18 =	vperm.xlane v8, v2  }
0xf8: {  	v19 =	vperm.xlane v9, v3;
	v20 =	vperm.xlane v10, v3;
	v11 =	vadd.f32 v11, v16  }
0xf9: {  	v16 =	vperm.xlane v15, v3;
	v7 =	vadd.f32 v7, v17;
	v8 =	vadd.f32 v8, v18  }
0xfa: {  	v9 =	vadd.f32 v9, v19;
	v10 =	vadd.f32 v10, v20;
	v17 =	vperm.xlane v11, v3  }
0xfb: {  	v12 =	vadd.f32 v34, v12;
	v15 =	vadd.f32 v15, v16;
	v16 =	vperm.xlane v7, v3  }
0xfc: {  	v9 =	vsel vm0, v9, v10;
	v10 =	vadd.f32 v11, v17;
	v11 =	vperm.xlane v8, v3  }
0xfd: {  	v9 =	vsel vm1, v9, v15;
	v7 =	vadd.f32 v7, v16;
	v15 =	vperm.xlane v12, v3  }
0xfe: {  	v9 =	vsel vm2, v9, v10;
	v8 =	vadd.f32 v8, v11;
	v10 =	vperm.xlane v21, v3  }
0xff: {  	v11 =	vperm.xlane v28, v3;
	v7 =	vsel vm3, v9, v7;
	v9 =	vadd.f32 v12, v15  }
0x100: {  	v7 =	vsel vm4, v7, v8;
	v8 =	vadd.f32 v21, v10;
	v10 =	vperm.xlane v24, v3  }
0x101: {  	v7 =	vsel vm5, v7, v9;
	v9 =	vadd.f32 v28, v11;
	v11 =	vperm.xlane v13, v3  }
0x102: {  	v7 =	vsel vm6, v7, v8;
	v8 =	vadd.f32 v24, v10;
	v10 =	vperm.xlane v33, v3  }
0x103: {  	v7 =	vsel vm7, v7, v9;
	v9 =	vadd.f32 v13, v11;
	v11 =	vperm.xlane v14, v3  }
0x104: {  	v7 =	vsel vm8, v7, v8;
	v8 =	vadd.f32 v33, v10;
	v10 =	vperm.xlane v6, v3  }
0x105: {  	v7 =	vsel vm9, v7, v9;
	v9 =	vadd.f32 v14, v11;
	v11 =	vperm.xlane v5, v3  }
0x106: {  	v7 =	vsel vm10, v7, v8;
	v6 =	vadd.f32 v6, v10;
	v8 =	vperm.xlane v4, v3  }
0x107: {  	v7 =	vsel vm11, v7, v9;
	v5 =	vadd.f32 v5, v11  }
0x108: {  	v6 =	vsel vm12, v7, v6;
	v4 =	vadd.f32 v4, v8  }
0x109: {  	v5 =	vsel vm13, v6, v5  }
0x10a: {  	s30 =	sadd.s32 $0x10, s30;
	v4 =	vsel vm14, v5, v4  }
0x10b: {  	s31 =	sshra.s32 s1, $0x2;
	[tilespmem:s30+$0x0] =	vst v4  }
0x10c: {  	v4 =	vld [tilespmem:s31+$0x5E0]  }
0x10d: {  	v5 =	vld [tilespmem:s31+$0x45E0]  }
0x10e: {  	v6 =	vld [tilespmem:s31+$0x5F0]  }
0x10f: {  	v7 =	vld [tilespmem:s31+$0x45F0]  }
0x110: {  	v8 =	vld [tilespmem:s31+$0x5C0]  }
0x111: {  	v9 =	vld [tilespmem:s31+$0x45C0]  }
0x112: {  	v10 =	vld [tilespmem:s31+$0x5D0]  }
0x113: {  	v11 =	vld [tilespmem:s31+$0x45D0]  }
0x114: {  	v12 =	vld [tilespmem:s31+$0x5A0]  }
0x115: {  	v13 =	vld [tilespmem:s31+$0x45A0]  }
0x116: {  	v14 =	vld [tilespmem:s31+$0x5B0]  }
0x117: {  	v15 =	vld [tilespmem:s31+$0x45B0]  }
0x118: {  	v16 =	vld [tilespmem:s31+$0x580]  }
0x119: {  	v17 =	vld [tilespmem:s31+$0x4580]  }
0x11a: {  	v18 =	vld [tilespmem:s31+$0x590]  }
0x11b: {  	v19 =	vld [tilespmem:s31+$0x4590]  }
0x11c: {  	v20 =	vld [tilespmem:s31+$0x560]  }
0x11d: {  	v21 =	vld [tilespmem:s31+$0x4560]  }
0x11e: {  	v22 =	vld [tilespmem:s31+$0x570]  }
0x11f: {  	v23 =	vld [tilespmem:s31+$0x4570]  }
0x120: {  	v24 =	vld [tilespmem:s31+$0x540]  }
0x121: {  	v25 =	vld [tilespmem:s31+$0x4540]  }
0x122: {  	v26 =	vld [tilespmem:s31+$0x550]  }
0x123: {  	v27 =	vld [tilespmem:s31+$0x4550]  }
0x124: {  	v28 =	vld [tilespmem:s31+$0x520]  }
0x125: {  	v29 =	vld [tilespmem:s31+$0x4520]  }
0x126: {  	v30 =	vld [tilespmem:s31+$0x530]  }
0x127: {  	v31 =	vld [tilespmem:s31+$0x4530]  }
0x128: {  	v32 =	vld [tilespmem:s31+$0x500]  }
0x129: {  	v4 =	vmul.f32 v5, v4;
	v5 =	vmul.f32 v7, v6;
	v33 =	vld [tilespmem:s31+$0x4500]  }
0x12a: {  	v6 =	vmul.f32 v9, v8;
	v7 =	vmul.f32 v11, v10;
	v34 =	vld [tilespmem:s31+$0x510]  }
0x12b: {  	v8 =	vmul.f32 v13, v12;
	v9 =	vmul.f32 v15, v14;
	v35 =	vld [tilespmem:s31+$0x4510]  }
0x12c: {  	v10 =	vmul.f32 v17, v16;
	v11 =	vmul.f32 v19, v18;
	v36 =	vld [tilespmem:s31+$0x4E0]  }
0x12d: {  	v4 =	vadd.f32 v5, v4;
	v6 =	vadd.f32 v7, v6;
	v18 =	vld [tilespmem:s31+$0x44E0]  }
0x12e: {  	v7 =	vadd.f32 v9, v8;
	v5 =	vadd.f32 v11, v10;
	v37 =	vld [tilespmem:s31+$0x4F0]  }
0x12f: {  	v8 =	vperm.xlane v6, v0;
	v9 =	vperm.xlane v4, v0;
	v38 =	vld [tilespmem:s31+$0x44F0]  }
0x130: {  	v11 =	vperm.xlane v7, v0;
	v10 =	vperm.xlane v5, v0;
	v39 =	vld [tilespmem:s31+$0x4C0]  }
0x131: {  	v6 =	vadd.f32 v6, v8;
	v4 =	vadd.f32 v4, v9;
	v40 =	vld [tilespmem:s31+$0x44C0]  }
0x132: {  	v7 =	vadd.f32 v7, v11;
	v5 =	vadd.f32 v5, v10;
	v41 =	vld [tilespmem:s31+$0x4D0]  }
0x133: {  	v8 =	vperm.xlane v6, v1;
	v9 =	vperm.xlane v4, v1;
	v42 =	vld [tilespmem:s31+$0x44D0]  }
0x134: {  	v15 =	vperm.xlane v7, v1;
	v13 =	vperm.xlane v5, v1;
	v10 =	vld [tilespmem:s31+$0x4A0]  }
0x135: {  	v6 =	vadd.f32 v6, v8;
	v4 =	vadd.f32 v4, v9;
	v12 =	vld [tilespmem:s31+$0x44A0]  }
0x136: {  	v15 =	vadd.f32 v7, v15;
	v14 =	vadd.f32 v5, v13;
	v11 =	vld [tilespmem:s31+$0x4B0]  }
0x137: {  	v9 =	vperm.xlane v4, v2;
	v5 =	vperm.xlane v6, v2;
	v13 =	vld [tilespmem:s31+$0x44B0]  }
0x138: {  	v19 =	vperm.xlane v15, v2;
	v16 =	vperm.xlane v14, v2;
	v7 =	vld [tilespmem:s31+$0x480]  }
0x139: {  	v20 =	vmul.f32 v21, v20;
	v21 =	vmul.f32 v23, v22;
	v4 =	vadd.f32 v4, v9;
	v8 =	vld [tilespmem:s31+$0x4480]  }
0x13a: {  	v22 =	vmul.f32 v25, v24;
	v23 =	vmul.f32 v27, v26;
	v5 =	vadd.f32 v6, v5;
	v9 =	vld [tilespmem:s31+$0x490]  }
0x13b: {  	v24 =	vmul.f32 v29, v28;
	v25 =	vmul.f32 v31, v30;
	v6 =	vadd.f32 v15, v19;
	v17 =	vld [tilespmem:s31+$0x460]  }
0x13c: {  	v28 =	vadd.f32 v21, v20;
	v26 =	vmul.f32 v33, v32;
	v27 =	vmul.f32 v35, v34;
	v19 =	vld [tilespmem:s31+$0x4460]  }
0x13d: {  	v30 =	vadd.f32 v23, v22;
	v21 =	vmul.f32 v18, v36;
	v29 =	vmul.f32 v38, v37;
	v15 =	vld [tilespmem:s31+$0x470]  }
0x13e: {  	v24 =	vadd.f32 v25, v24;
	v22 =	vmul.f32 v40, v39;
	v23 =	vmul.f32 v42, v41;
	v18 =	vld [tilespmem:s31+$0x440]  }
0x13f: {  	v26 =	vadd.f32 v27, v26;
	v27 =	vperm.xlane v28, v0;
	v25 =	vadd.f32 v29, v21;
	v20 =	vld [tilespmem:s31+$0x4440]  }
0x140: {  	v32 =	vperm.xlane v30, v0;
	v31 =	vperm.xlane v24, v0;
	v29 =	vadd.f32 v23, v22;
	v21 =	vld [tilespmem:s31+$0x450]  }
0x141: {  	v34 =	vperm.xlane v26, v0;
	v27 =	vadd.f32 v28, v27;
	v33 =	vperm.xlane v25, v0;
	v22 =	vld [tilespmem:s31+$0x4400]  }
0x142: {  	v30 =	vadd.f32 v30, v32;
	v31 =	vadd.f32 v24, v31;
	v28 =	vperm.xlane v29, v0;
	v23 =	vld [tilespmem:s31+$0x400]  }
.Ltmp0:
0x143: {  	v37 =	vadd.f32 v26, v34;
	v32 =	vperm.xlane v27, v1;
	v35 =	vadd.f32 v25, v33;
	v24 =	vld [tilespmem:s31+$0x410];
	(pc) =	sbr.rel @p0 .LBB2_2-.Ltmp0, $4  }
0x144: {  	v38 =	vperm.xlane v30, v1;
	v34 =	vadd.f32 v29, v28;
	v29 =	vperm.xlane v31, v1;
	v25 =	vld [tilespmem:s31+$0x4410]  }
0x145: {  	v40 =	vperm.xlane v37, v1;
	v33 =	vadd.f32 v27, v32;
	v39 =	vperm.xlane v35, v1;
	v26 =	vld [tilespmem:s31+$0x420]  }
0x146: {  	v32 =	vadd.f32 v30, v38;
	v36 =	vperm.xlane v34, v1;
	v29 =	vadd.f32 v31, v29;
	v28 =	vld [tilespmem:s31+$0x4420]  }
0x147: {  	s1 =	sadd.s32 $0x800, s1;
	v27 =	vadd.f32 v35, v39;
	v35 =	vperm.xlane v33, v2;
	v31 =	vadd.f32 v37, v40;
	v30 =	vld [tilespmem:s31+$0x430]  }
0x148: {  	v49 =	vperm.xlane v29, v2;
	v38 =	vperm.xlane v32, v2  }
0x149: {  	v37 =	vld [tilespmem:s31+$0x4430];
	v10 =	vmul.f32 v12, v10;
	v17 =	vmul.f32 v19, v17  }
0x14a: {  	v39 =	vld [tilespmem:s31+$0x4450];
	v11 =	vmul.f32 v13, v11;
	v22 =	vmul.f32 v22, v23  }
0x14b: {  	v34 =	vadd.f32 v34, v36;
	v50 =	vld [tilespmem:s31+$0x4470];
	v18 =	vmul.f32 v20, v18;
	v7 =	vmul.f32 v8, v7  }
0x14c: {  	v14 =	vadd.f32 v14, v16;
	v52 =	vld [tilespmem:s31+$0x4490];
	v40 =	vperm.xlane v27, v2;
	v41 =	vperm.xlane v31, v2  }
0x14d: {  	v33 =	vadd.f32 v33, v35;
	v53 =	vmul.f32 v25, v24;
	v51 =	vperm.xlane v34, v2  }
0x14e: {  	v13 =	vadd.f32 v32, v38;
	v54 =	vmul.f32 v28, v26;
	v55 =	vmul.f32 v37, v30  }
0x14f: {  	v24 =	vadd.f32 v29, v49;
	v56 =	vadd.f32 v31, v41;
	v57 =	vmul.f32 v39, v21  }
0x150: {  	v22 =	vadd.f32 v53, v22;
	v15 =	vmul.f32 v50, v15;
	v59 =	vadd.f32 v55, v54  }
0x151: {  	v58 =	vadd.f32 v27, v40;
	v61 =	vmul.f32 v52, v9;
	v60 =	vadd.f32 v57, v18  }
0x152: {  	v62 =	vperm.xlane v22, v0;
	v15 =	vadd.f32 v15, v17;
	v63 =	vperm.xlane v59, v0  }
0x153: {  	v26 =	vadd.f32 v11, v10;
	v7 =	vadd.f32 v61, v7;
	v25 =	vperm.xlane v60, v0  }
0x154: {  	v9 =	vadd.f32 v22, v62;
	v29 =	vperm.xlane v15, v0;
	v27 =	vadd.f32 v59, v63  }
0x155: {  	v31 =	vperm.xlane v26, v0;
	v30 =	vperm.xlane v7, v0;
	v16 =	vadd.f32 v60, v25  }
0x156: {  	v32 =	vperm.xlane v9, v1;
	v11 =	vadd.f32 v15, v29;
	v35 =	vperm.xlane v27, v1  }
0x157: {  	v8 =	vadd.f32 v26, v31;
	v7 =	vadd.f32 v7, v30;
	v36 =	vperm.xlane v16, v1  }
0x158: {  	v9 =	vadd.f32 v9, v32;
	v37 =	vperm.xlane v11, v1;
	v10 =	vadd.f32 v27, v35  }
0x159: {  	v18 =	vperm.xlane v8, v1;
	v38 =	vperm.xlane v7, v1;
	v15 =	vadd.f32 v16, v36  }
0x15a: {  	v19 =	vperm.xlane v9, v2;
	v11 =	vadd.f32 v11, v37;
	v20 =	vperm.xlane v10, v2  }
0x15b: {  	v8 =	vadd.f32 v8, v18;
	v7 =	vadd.f32 v7, v38;
	v39 =	vperm.xlane v15, v2  }
0x15c: {  	v9 =	vadd.f32 v9, v19;
	v40 =	vperm.xlane v11, v2;
	v10 =	vadd.f32 v10, v20  }
0x15d: {  	v18 =	vperm.xlane v8, v2;
	v41 =	vperm.xlane v7, v2;
	v15 =	vadd.f32 v15, v39  }
0x15e: {  	v19 =	vperm.xlane v9, v3;
	v11 =	vadd.f32 v11, v40;
	v20 =	vperm.xlane v10, v3  }
0x15f: {  	v8 =	vadd.f32 v8, v18;
	v7 =	vadd.f32 v7, v41;
	v42 =	vperm.xlane v15, v3  }
0x160: {  	v9 =	vadd.f32 v9, v19;
	v43 =	vperm.xlane v11, v3;
	v10 =	vadd.f32 v10, v20  }
0x161: {  	v12 =	vadd.f32 v34, v51;
	v44 =	vperm.xlane v7, v3;
	v15 =	vadd.f32 v15, v42  }
0x162: {  	v46 =	vperm.xlane v8, v3;
	v45 =	vadd.f32 v11, v43;
	v9 =	vsel vm0, v9, v10  }
0x163: {  	v47 =	vperm.xlane v12, v3;
	v7 =	vadd.f32 v7, v44;
	v9 =	vsel vm1, v9, v15  }
0x164: {  	v48 =	vperm.xlane v58, v3;
	v8 =	vadd.f32 v8, v46;
	v9 =	vsel vm2, v9, v45  }
0x165: {  	v50 =	vperm.xlane v56, v3;
	v49 =	vadd.f32 v12, v47;
	v7 =	vsel vm3, v9, v7  }
0x166: {  	v52 =	vperm.xlane v24, v3;
	v51 =	vadd.f32 v58, v48;
	v7 =	vsel vm4, v7, v8  }
0x167: {  	v53 =	vadd.f32 v56, v50;
	v54 =	vperm.xlane v13, v3;
	v7 =	vsel vm5, v7, v49  }
0x168: {  	v55 =	vadd.f32 v24, v52;
	v56 =	vperm.xlane v33, v3;
	v7 =	vsel vm6, v7, v51  }
0x169: {  	v58 =	vperm.xlane v14, v3;
	v57 =	vadd.f32 v13, v54;
	v7 =	vsel vm7, v7, v53  }
0x16a: {  	v59 =	vadd.f32 v33, v56;
	v60 =	vperm.xlane v6, v3;
	v7 =	vsel vm8, v7, v55  }
0x16b: {  	v62 =	vperm.xlane v5, v3;
	v61 =	vadd.f32 v14, v58;
	v7 =	vsel vm9, v7, v57  }
0x16c: {  	v63 =	vperm.xlane v4, v3;
	v6 =	vadd.f32 v6, v60;
	v7 =	vsel vm10, v7, v59  }
0x16d: {  	v5 =	vadd.f32 v5, v62;
	v7 =	vsel vm11, v7, v61  }
0x16e: {  	v4 =	vadd.f32 v4, v63;
	v6 =	vsel vm12, v7, v6  }
0x16f: {  	s29 =	sadd.s32 $0x1, s29;
	v5 =	vsel vm13, v6, v5  }
0x170: {  	s1 =	sadd.s32 $0x10, s30;
	p0 =	sne.s32 s29, s8;
	v4 =	vsel vm14, v5, v4  }
.Ltmp1:
0x171: {  	[tilespmem:s1+$0x0] =	vst v4;
	(pc) =	sbr.rel @p0 .LBB2_1-.Ltmp1, $4  }
0x172: {  	[hbm4b:s7+s0] =	stream.linear.scatter [tilespmem:s28], [sflag:$0x3], $0x200, $0x38;
	[tilespmem:$0x8600] =	vst v63  }
0x173: {  	_ =	swait.ge [sflag:s9], $0x200  }
0x174: {  	[sflag:s9] =	ssyncset.done $0x0  }
0x175: {  	[sflag:s9] =	ssyncadd.s32 $0xFFFFFE00  }
0x176: {  	_ =	sfence.sel $0x180000  }
0x177: {  	[bflag:$0x0] =	sbarrier.arrive $0xFFFF  }
0x178: {  	_ =	strace $0x90000047  }
0x179: {  	[bflag:$0x2] =	sbarrier.arrive $0xFFFF  }
0x17a: {  	p0 =	sne.s32 s2, $0x0;
	s0 =	rddreg [dreg:$0x4]  }
0x17b: {  	s0 =	sadd.s32 @!p0 $0x100000, s0  }
0x17c: {  	[sflag:s0] =	ssyncadd.tile.s32 @!p0 $0x1;
	_ =	shalt  }
.Lfunc_end2:
_tile_overlayer_lowered:
.L_overlay_start_2:
0x17d: {  	(tag) =	ssettag $0x2  }
0x17e: {  	s0 =	rddreg [dreg:$0x0];
	s2 =	stileid.u32  }
0x17f: {  	s1 =	rddreg [dreg:$0x1];
	p0 =	sne.s32 s2, $0x0  }
0x180: {  	s3 =	rddreg [dreg:$0x2];
	[bflag:$0x3] =	sbarrier.arrive $0xFFFF;
	s2 =	simm.s32 @!p0 $0x1C03  }
0x181: {  	[timem:s3], [sflag:s2] =	dma.local @!p0 [hbm:s0], s1  }
0x182: {  	s0 =	simm.s32 @!p0 $0x3  }
0x183: {  	_ =	swait.ge @!p0 [sflag:s0], s1  }
0x184: {  	s1 =	ssub.s32 @!p0 $0x0, s1;
	[sflag:s0] =	ssyncset.done @!p0 $0x0  }
0x185: {  	[sflag:s0] =	ssyncadd.s32 @!p0 s1  }
0x186: {  	[bflag:$0x3] =	sbarrier.arrive $0xFFFF  }
0x187: {  	_ =	shalt  }

</sc_bundles>
